<compile_context>
chip_gen: v7x
topology: tpu7x:2x2x1
jax: 0.10.2.dev20260603
libtpu: 0.0.44.dev20260713+nightly
codegen_flags: <defaults>
</compile_context>

<pallas_src>
import functools

import jax
import jax.numpy as jnp
from jax import lax
from jax.experimental import pallas as pl
from jax.experimental.pallas import tpu as pltpu
from jax.experimental.pallas import tpu_sc as plsc

N = 320000
B = 10000
D = 128
L = 16
NV = D // L
NC = 2
NS = 16
NW = NC * NS
SPW = 313
SPWP = 320
BP = NW * SPW
RS_PAD = 10368
K = 160
NEG = -3.0e38

_mesh = plsc.VectorSubcoreMesh(core_axis_name="c", subcore_axis_name="s")


@functools.partial(
    pl.kernel,
    out_type=jax.ShapeDtypeStruct((NW * SPW * D,), jnp.float32),
    mesh=_mesh,
    compiler_params=pltpu.CompilerParams(needs_layout_passes=False),
    scratch_types=[
        pltpu.VMEM((352,), jnp.int32),
        pltpu.VMEM((2, K, D), jnp.float32),
        pltpu.VMEM((K + L,), jnp.int32),
        pltpu.VMEM((K + L,), jnp.int32),
        pltpu.VMEM((SPWP, D), jnp.float32),
        pltpu.VMEM((SPW * D,), jnp.float32),
        pltpu.SemaphoreType.DMA,
        pltpu.SemaphoreType.DMA,
        pltpu.SemaphoreType.DMA,
        pltpu.SemaphoreType.DMA,
    ],
)
def _wg(atom_hbm, ids_hbm, prot_hbm, rs_hbm, out_hbm,
        rsb, ablk, iblk0, iblk1, protb, outb, semA0, semA1, semI0, semI1):
    w = lax.axis_index("s") * NC + lax.axis_index("c")
    s_lo = w * SPW
    rbase = pl.multiple_of(s_lo - lax.rem(s_lo, 8), 8)
    pltpu.sync_copy(rs_hbm.at[pl.ds(rbase, 352)], rsb)
    pltpu.sync_copy(prot_hbm.at[w], protb)

    zvec = jnp.zeros((L,), jnp.float32)
    nvec = jnp.full((L,), NEG, jnp.float32)

    def _zero(r, c):
        outb[pl.ds(r * L, L)] = zvec
        return c

    lax.fori_loop(0, SPW * D // L, _zero, 0)

    a0 = rsb[pl.ds(s_lo - rbase, L)][0]
    a1 = rsb[pl.ds(s_lo - rbase + SPW, L)][0]
    base = pl.multiple_of(a0 - lax.rem(a0, 8), 8)
    nblk = lax.div(a1 - base + (K - 1), K)

    def _offs(b):
        return pl.multiple_of(jnp.minimum(base + b * K, N - K), 8)

    def _start(b, par):
        off = _offs(b)
        if par == 0:
            pltpu.async_copy(atom_hbm.at[pl.ds(off, K), :], ablk.at[0], semA0)
            pltpu.async_copy(ids_hbm.at[pl.ds(off, K)],
                             iblk0.at[pl.ds(0, K)], semI0)
        else:
            pltpu.async_copy(atom_hbm.at[pl.ds(off, K), :], ablk.at[1], semA1)
            pltpu.async_copy(ids_hbm.at[pl.ds(off, K)],
                             iblk1.at[pl.ds(0, K)], semI1)

    def _wait(par):
        if par == 0:
            pltpu.make_async_copy(atom_hbm.at[pl.ds(0, K), :], ablk.at[0],
                                  semA0).wait()
            pltpu.make_async_copy(ids_hbm.at[pl.ds(0, K)],
                                  iblk0.at[pl.ds(0, K)], semI0).wait()
        else:
            pltpu.make_async_copy(atom_hbm.at[pl.ds(0, K), :], ablk.at[1],
                                  semA1).wait()
            pltpu.make_async_copy(ids_hbm.at[pl.ds(0, K)],
                                  iblk1.at[pl.ds(0, K)], semI1).wait()

    @pl.when(nblk > 0)
    def _():
        _start(0, 0)

    def blk_body(b, carry):
        par = lax.rem(b, 2)
        off = _offs(b)

        @pl.when(par == 0)
        def _():
            _wait(0)

        @pl.when(par == 1)
        def _():
            _wait(1)

        nxt = b + 1

        @pl.when(jnp.logical_and(nxt < nblk, lax.rem(nxt, 2) == 0))
        def _():
            _start(nxt, 0)

        @pl.when(jnp.logical_and(nxt < nblk, lax.rem(nxt, 2) == 1))
        def _():
            _start(nxt, 1)

        lo = jnp.maximum(a0, base + b * K) - off
        hi = jnp.minimum(a1, base + (b + 1) * K) - off
        valid = hi > lo
        sf0 = iblk0[pl.ds(lo, L)][0]
        sf1 = iblk1[pl.ds(lo, L)][0]
        sl0 = iblk0[pl.ds(jnp.maximum(hi - 1, 0), L)][0]
        sl1 = iblk1[pl.ds(jnp.maximum(hi - 1, 0), L)][0]
        sf_raw = jnp.where(par == 0, sf0, sf1)
        sl_raw = jnp.where(par == 0, sl0, sl1)
        sfirst = jnp.where(valid, sf_raw, 1)
        slast = jnp.where(valid, sl_raw, 0)

        def seg_body(sv, c):
            m, s, acc = c
            rvec = rsb[pl.ds(sv - rbase, L)]
            r0 = rvec[0]
            r1 = rvec[1]
            fresh = r0 >= off + lo
            m = jnp.where(fresh, nvec, m)
            s = jnp.where(fresh, zvec, s)
            acc = tuple(jnp.where(fresh, zvec, acc[j]) for j in range(NV))
            r = sv - s_lo
            p = tuple(protb[r, pl.ds(j * L, L)] for j in range(NV))
            ilo = jnp.maximum(lo, r0 - off)
            ihi = jnp.minimum(hi, r1 - off)

            def atom_body(i, c2):
                m, s, acc = c2
                a = tuple(ablk[par, i, pl.ds(j * L, L)] for j in range(NV))
                t0 = a[0] * p[0] + a[1] * p[1]
                t1 = a[2] * p[2] + a[3] * p[3]
                t2 = a[4] * p[4] + a[5] * p[5]
                t3 = a[6] * p[6] + a[7] * p[7]
                part = (t0 + t1) + (t2 + t3)
                lv = jnp.full((L,), jnp.sum(part), jnp.float32)
                mn = jnp.maximum(m, lv)
                sc = jnp.exp(m - mn)
                e = jnp.exp(lv - mn)
                s = s * sc + e
                acc = tuple(acc[j] * sc + a[j] * e for j in range(NV))
                return (mn, s, acc)

            m, s, acc = lax.fori_loop(ilo, ihi, atom_body, (m, s, acc))

            @pl.when(r1 <= off + hi)
            def _():
                inv = 1.0 / (s + 1e-12)
                for j in range(NV):
                    outb[pl.ds(r * D + j * L, L)] = acc[j] * inv

            return (m, s, acc)

        return lax.fori_loop(sfirst, slast + 1, seg_body, carry)

    init = (nvec, zvec, tuple(zvec for _ in range(NV)))
    lax.fori_loop(0, nblk, blk_body, init)
    pltpu.sync_copy(
        outb, out_hbm.at[pl.ds(pl.multiple_of(w * (SPW * D), 8), SPW * D)])


def kernel(atom_features, atom_split, protSeq_features):
    ids = atom_split.astype(jnp.int32)
    bounds = jnp.arange(BP + 1, dtype=jnp.int32)
    rstarts = jnp.searchsorted(ids, bounds).astype(jnp.int32)
    rstarts = jnp.concatenate(
        [rstarts, jnp.full((RS_PAD - (BP + 1),), N, jnp.int32)])
    protp = jnp.concatenate(
        [protSeq_features,
         jnp.zeros((BP - B, D), jnp.float32)]).reshape(NW, SPW, D)
    protp = jnp.pad(protp, ((0, 0), (0, SPWP - SPW), (0, 0)))
    out = _wg(atom_features, ids, protp, rstarts)
    return out.reshape(BP, D)[:B]

# --- scband reference (transcript-rebuilt; emitter-appended) ---
"""Pipeline reference for scband-weighted-gather-35502199669432 (READ-ONLY COPY).

The authoritative reference and input builder live on the scoring server;
editing this copy changes nothing except your own understanding.
"""

import jax, jax.numpy as jnp
import numpy as np

N = 320000
B = 10000
D = 128

def setup_inputs(seed: int = 0) -> dict:
    key = jax.random.key(seed)
    k1, k2, k3 = jax.random.split(key, 3)
    atom_features = jax.random.normal(k1, (N, D), dtype=jnp.float32)
    atom_split = jnp.sort(jax.random.randint(k2, (N,), 0, B).astype(jnp.int64))
    protSeq_features = jax.random.normal(k3, (B, D), dtype=jnp.float32)
    return {"atom_features": atom_features, "atom_split": atom_split, "protSeq_features": protSeq_features}

def reference(atom_features, atom_split, protSeq_features):
    # WeightedGather: gather per-segment protein features to each atom,
    # compute attention logits (dot product), segment-softmax, then
    # weighted segment-sum of atom features back to the molecule level.
    prot_per_atom = jnp.take(protSeq_features, atom_split, axis=0)          # [N, D] gather
    logits = jnp.sum(atom_features * prot_per_atom, axis=-1)                 # [N]
    seg_max = jax.ops.segment_max(logits, atom_split, num_segments=B)        # [B]
    # guard empty segments (segment_max returns -inf there; never gathered)
    shifted = logits - jnp.take(seg_max, atom_split, axis=0)
    e = jnp.exp(shifted)                                                     # [N]
    denom = jax.ops.segment_sum(e, atom_split, num_segments=B)               # [B]
    w = e / (jnp.take(denom, atom_split, axis=0) + 1e-12)                    # [N]
    out = jax.ops.segment_sum(w[:, None] * atom_features, atom_split, num_segments=B)  # [B, D]
    return out

if False:  # reference __main__ guard neutralized (emitter)
    inp = setup_inputs()
    out = reference(**inp)
    print(out.shape, out.dtype)

if __name__ == "__main__":
    import jax
    _d = setup_inputs()
    print(jax.jit(kernel)(*tuple(_d.values())))

</pallas_src>

<mosaic_0001>
#map = affine_map<(d0, d1) -> (0, 0)>
#map1 = affine_map<(d0, d1) -> (0)>
#map2 = affine_map<(d0, d1) -> (0, 0, 0)>
module attributes {stable_mosaic.version = 14 : i64} {
  func.func @_wg(%arg0: i32, %arg1: i32, %arg2: memref<320000x128xf32, #tpu.memory_space<hbm>>, %arg3: memref<320000xi32, #tpu.memory_space<hbm>>, %arg4: memref<32x320x128xf32, #tpu.memory_space<hbm>>, %arg5: memref<10368xi32, #tpu.memory_space<hbm>>, %arg6: memref<1282048xf32, #tpu.memory_space<hbm>>, %arg7: memref<352xi32, #tpu.memory_space<vmem>>, %arg8: memref<2x160x128xf32, #tpu.memory_space<vmem>>, %arg9: memref<176xi32, #tpu.memory_space<vmem>>, %arg10: memref<176xi32, #tpu.memory_space<vmem>>, %arg11: memref<320x128xf32, #tpu.memory_space<vmem>>, %arg12: memref<40064xf32, #tpu.memory_space<vmem>>, %arg13: memref<!tpu.dma_semaphore, #tpu.memory_space<semaphore_mem>>, %arg14: memref<!tpu.dma_semaphore, #tpu.memory_space<semaphore_mem>>, %arg15: memref<!tpu.dma_semaphore, #tpu.memory_space<semaphore_mem>>, %arg16: memref<!tpu.dma_semaphore, #tpu.memory_space<semaphore_mem>>) attributes {dimension_semantics = [#tpu.dimension_semantics<core_parallel>, #tpu.dimension_semantics<subcore_parallel>], iteration_bounds = array<i64: 2, 16>, scalar_prefetch = 0 : i64, scratch_operands = 10 : i64, tpu.core_type = #tpu.core_type<sc_vector_subcore>, window_params = [{transform_indices = #map}, {transform_indices = #map1}, {transform_indices = #map2}, {transform_indices = #map1}, {transform_indices = #map1}]} {
    %mul3A = arith.constant 2 : i32
    %mul3A_0 = arith.muli %arg1, %mul3A : i32
    %add3A = arith.addi %mul3A_0, %arg0 : i32
    %mul3A_1 = arith.constant 313 : i32
    %mul3A_2 = arith.muli %add3A, %mul3A_1 : i32
    %rem3A = arith.constant 8 : i32
    %rem3A_3 = arith.remsi %mul3A_2, %rem3A : i32
    %sub3A = arith.subi %mul3A_2, %rem3A_3 : i32
    %multiple_of3A = tpu.assume_multiple %sub3A, 8 : i32
    "tpu.region"() ({
      %run_scoped3A = tpu.sem_alloc : memref<!tpu.dma_semaphore, #tpu.memory_space<semaphore_mem>>
      %dma_start3A = tpu.memref_slice %arg5[%multiple_of3A] : memref<10368xi32, #tpu.memory_space<hbm>> -> memref<352xi32, #tpu.memory_space<hbm>>
      %dma_start3A_44 = tpu.memref_slice %arg5[%multiple_of3A] : memref<10368xi32, #tpu.memory_space<hbm>> -> memref<352xi32, #tpu.memory_space<hbm>>
      tpu.enqueue_dma source(%dma_start3A_44 : memref<352xi32, #tpu.memory_space<hbm>>) target(%arg7 : memref<352xi32, #tpu.memory_space<vmem>>) target_semaphore(%run_scoped3A : memref<!tpu.dma_semaphore, #tpu.memory_space<semaphore_mem>>)
      %dma_wait3A = tpu.memref_slice %arg5[%multiple_of3A] : memref<10368xi32, #tpu.memory_space<hbm>> -> memref<352xi32, #tpu.memory_space<hbm>>
      %dma_wait3A_45 = tpu.memref_slice %arg5[%multiple_of3A] : memref<10368xi32, #tpu.memory_space<hbm>> -> memref<352xi32, #tpu.memory_space<hbm>>
      tpu.wait_dma2 semaphore(%run_scoped3A : memref<!tpu.dma_semaphore, #tpu.memory_space<semaphore_mem>>) src(%dma_wait3A_45 : memref<352xi32, #tpu.memory_space<hbm>>) dst(%arg7 : memref<352xi32, #tpu.memory_space<vmem>>)
      tpu.yield
    }) : () -> ()
    "tpu.region"() ({
      %run_scoped3A = tpu.sem_alloc : memref<!tpu.dma_semaphore, #tpu.memory_space<semaphore_mem>>
      %dma_start3A = arith.constant 0 : i32
      %dma_start3A_44 = arith.constant 0 : i32
      %dma_start3A_45 = tpu.memref_slice %arg4[%add3A, %dma_start3A, %dma_start3A_44] : memref<32x320x128xf32, #tpu.memory_space<hbm>> -> memref<1x320x128xf32, #tpu.memory_space<hbm>>
      %dma_start3A_46 = tpu.memref_squeeze %dma_start3A_45 : memref<1x320x128xf32, #tpu.memory_space<hbm>> -> memref<320x128xf32, #tpu.memory_space<hbm>>
      %dma_start3A_47 = arith.constant 0 : i32
      %dma_start3A_48 = arith.constant 0 : i32
      %dma_start3A_49 = tpu.memref_slice %arg4[%add3A, %dma_start3A_47, %dma_start3A_48] : memref<32x320x128xf32, #tpu.memory_space<hbm>> -> memref<1x320x128xf32, #tpu.memory_space<hbm>>
      %dma_start3A_50 = tpu.memref_squeeze %dma_start3A_49 : memref<1x320x128xf32, #tpu.memory_space<hbm>> -> memref<320x128xf32, #tpu.memory_space<hbm>>
      tpu.enqueue_dma source(%dma_start3A_50 : memref<320x128xf32, #tpu.memory_space<hbm>>) target(%arg11 : memref<320x128xf32, #tpu.memory_space<vmem>>) target_semaphore(%run_scoped3A : memref<!tpu.dma_semaphore, #tpu.memory_space<semaphore_mem>>)
      %dma_wait3A = arith.constant 0 : i32
      %dma_wait3A_51 = arith.constant 0 : i32
      %dma_wait3A_52 = tpu.memref_slice %arg4[%add3A, %dma_wait3A, %dma_wait3A_51] : memref<32x320x128xf32, #tpu.memory_space<hbm>> -> memref<1x320x128xf32, #tpu.memory_space<hbm>>
      %dma_wait3A_53 = tpu.memref_squeeze %dma_wait3A_52 : memref<1x320x128xf32, #tpu.memory_space<hbm>> -> memref<320x128xf32, #tpu.memory_space<hbm>>
      %dma_wait3A_54 = arith.constant 0 : i32
      %dma_wait3A_55 = arith.constant 0 : i32
      %dma_wait3A_56 = tpu.memref_slice %arg4[%add3A, %dma_wait3A_54, %dma_wait3A_55] : memref<32x320x128xf32, #tpu.memory_space<hbm>> -> memref<1x320x128xf32, #tpu.memory_space<hbm>>
      %dma_wait3A_57 = tpu.memref_squeeze %dma_wait3A_56 : memref<1x320x128xf32, #tpu.memory_space<hbm>> -> memref<320x128xf32, #tpu.memory_space<hbm>>
      tpu.wait_dma2 semaphore(%run_scoped3A : memref<!tpu.dma_semaphore, #tpu.memory_space<semaphore_mem>>) src(%dma_wait3A_57 : memref<320x128xf32, #tpu.memory_space<hbm>>) dst(%arg11 : memref<320x128xf32, #tpu.memory_space<vmem>>)
      tpu.yield
    }) : () -> ()
    %broadcast_in_dim3A = arith.constant 0.000000e+00 : f32
    %broadcast_in_dim3A_4 = vector.broadcast %broadcast_in_dim3A : f32 to vector<16xf32>
    %broadcast_in_dim3A_5 = arith.constant -3.000000e+38 : f32
    %broadcast_in_dim3A_6 = vector.broadcast %broadcast_in_dim3A_5 : f32 to vector<16xf32>
    %scan3A = arith.constant 0 : i32
    %scan3A_7 = arith.constant 0 : i32
    %scan3A_8 = arith.constant 2504 : i32
    %scan3A_9 = arith.addi %scan3A_7, %scan3A_8 : i32
    %scan3A_10 = arith.constant 1 : i32
    scf.for %scan3A_44 = %scan3A_7 to %scan3A_9 step %scan3A_10  : i32 {
      %mul3A_45 = arith.constant 16 : i32
      %mul3A_46 = arith.muli %scan3A_44, %mul3A_45 : i32
      %swap3A = arith.index_cast %mul3A_46 : i32 to index
      %swap3A_47 = tpu.vector_load %arg12[%swap3A] {strides = array<i32>} : memref<40064xf32, #tpu.memory_space<vmem>>, vector<16xf32>,
      tpu.vector_store %arg12[%swap3A], %broadcast_in_dim3A_4 {strides = array<i32>} : memref<40064xf32, #tpu.memory_space<vmem>>, vector<16xf32>,
    }
    %scan3A_11 = arith.constant 2504 : i32
    %sub3A_12 = arith.subi %mul3A_2, %multiple_of3A : i32
    %get3A = arith.index_cast %sub3A_12 : i32 to index
    %get3A_13 = tpu.vector_load %arg7[%get3A] {strides = array<i32>} : memref<352xi32, #tpu.memory_space<vmem>>, vector<16xi32>,
    %slice3A = vector.extract_strided_slice %get3A_13 {offsets = [0], sizes = [1], strides = [1]} : vector<16xi32> to vector<1xi32>
    %squeeze3A = vector.extract %slice3A[0] : i32 from vector<1xi32>
    %sub3A_14 = arith.subi %mul3A_2, %multiple_of3A : i32
    %add3A_15 = arith.constant 313 : i32
    %add3A_16 = arith.addi %sub3A_14, %add3A_15 : i32
    %get3A_17 = arith.index_cast %add3A_16 : i32 to index
    %get3A_18 = tpu.vector_load %arg7[%get3A_17] {strides = array<i32>} : memref<352xi32, #tpu.memory_space<vmem>>, vector<16xi32>,
    %slice3A_19 = vector.extract_strided_slice %get3A_18 {offsets = [0], sizes = [1], strides = [1]} : vector<16xi32> to vector<1xi32>
    %squeeze3A_20 = vector.extract %slice3A_19[0] : i32 from vector<1xi32>
    %rem3A_21 = arith.constant 8 : i32
    %rem3A_22 = arith.remsi %squeeze3A, %rem3A_21 : i32
    %sub3A_23 = arith.subi %squeeze3A, %rem3A_22 : i32
    %multiple_of3A_24 = tpu.assume_multiple %sub3A_23, 8 : i32
    %sub3A_25 = arith.subi %squeeze3A_20, %multiple_of3A_24 : i32
    %add3A_26 = arith.constant 159 : i32
    %add3A_27 = arith.addi %sub3A_25, %add3A_26 : i32
    %div3A = arith.constant 160 : i32
    %div3A_28 = arith.divsi %add3A_27, %div3A : i32
    %gt3A = arith.constant 0 : i32
    %gt3A_29 = arith.cmpi sgt, %div3A_28, %gt3A : i32
    %convert_element_type3A = arith.extui %gt3A_29 : i1 to i32
    %cond3A = arith.constant 0 : i32
    %cond3A_30 = arith.cmpi ne, %convert_element_type3A, %cond3A : i32
    scf.if %cond3A_30 {
      %add3A_44 = arith.constant 0 : i32
      %add3A_45 = arith.addi %multiple_of3A_24, %add3A_44 : i32
      %min3A = arith.constant 319840 : i32
      %min3A_46 = arith.minsi %add3A_45, %min3A : i32
      %multiple_of3A_47 = tpu.assume_multiple %min3A_46, 8 : i32
      %dma_start3A = arith.constant 0 : i32
      %dma_start3A_48 = arith.constant 0 : i32
      %dma_start3A_49 = arith.constant 0 : i32
      %dma_start3A_50 = tpu.memref_slice %arg8[%dma_start3A, %dma_start3A_48, %dma_start3A_49] : memref<2x160x128xf32, #tpu.memory_space<vmem>> -> memref<1x160x128xf32, #tpu.memory_space<vmem>>
      %dma_start3A_51 = tpu.memref_squeeze %dma_start3A_50 : memref<1x160x128xf32, #tpu.memory_space<vmem>> -> memref<160x128xf32, #tpu.memory_space<vmem>>
      %dma_start3A_52 = arith.constant 0 : i32
      %dma_start3A_53 = tpu.memref_slice %arg2[%multiple_of3A_47, %dma_start3A_52] : memref<320000x128xf32, #tpu.memory_space<hbm>> -> memref<160x128xf32, #tpu.memory_space<hbm>>
      %dma_start3A_54 = arith.constant 0 : i32
      %dma_start3A_55 = arith.constant 0 : i32
      %dma_start3A_56 = tpu.memref_slice %arg8[%dma_start3A, %dma_start3A_54, %dma_start3A_55] : memref<2x160x128xf32, #tpu.memory_space<vmem>> -> memref<1x160x128xf32, #tpu.memory_space<vmem>>
      %dma_start3A_57 = tpu.memref_squeeze %dma_start3A_56 : memref<1x160x128xf32, #tpu.memory_space<vmem>> -> memref<160x128xf32, #tpu.memory_space<vmem>>
      %dma_start3A_58 = arith.constant 0 : i32
      %dma_start3A_59 = tpu.memref_slice %arg2[%multiple_of3A_47, %dma_start3A_58] : memref<320000x128xf32, #tpu.memory_space<hbm>> -> memref<160x128xf32, #tpu.memory_space<hbm>>
      tpu.enqueue_dma source(%dma_start3A_59 : memref<160x128xf32, #tpu.memory_space<hbm>>) target(%dma_start3A_57 : memref<160x128xf32, #tpu.memory_space<vmem>>) target_semaphore(%arg13 : memref<!tpu.dma_semaphore, #tpu.memory_space<semaphore_mem>>)
      %dma_start3A_60 = arith.constant 0 : i32
      %dma_start3A_61 = tpu.memref_slice %arg9[%dma_start3A_60] : memref<176xi32, #tpu.memory_space<vmem>> -> memref<160xi32, #tpu.memory_space<vmem>>
      %dma_start3A_62 = tpu.memref_slice %arg3[%multiple_of3A_47] : memref<320000xi32, #tpu.memory_space<hbm>> -> memref<160xi32, #tpu.memory_space<hbm>>
      %dma_start3A_63 = arith.constant 0 : i32
      %dma_start3A_64 = tpu.memref_slice %arg9[%dma_start3A_63] : memref<176xi32, #tpu.memory_space<vmem>> -> memref<160xi32, #tpu.memory_space<vmem>>
      %dma_start3A_65 = tpu.memref_slice %arg3[%multiple_of3A_47] : memref<320000xi32, #tpu.memory_space<hbm>> -> memref<160xi32, #tpu.memory_space<hbm>>
      tpu.enqueue_dma source(%dma_start3A_65 : memref<160xi32, #tpu.memory_space<hbm>>) target(%dma_start3A_64 : memref<160xi32, #tpu.memory_space<vmem>>) target_semaphore(%arg15 : memref<!tpu.dma_semaphore, #tpu.memory_space<semaphore_mem>>)
    } else {
    }
    %while3A = arith.constant 0 : i32
    %while3A_31 = arith.subi %div3A_28, %while3A : i32
    %while3A_32 = arith.addi %while3A, %while3A_31 : i32
    %while3A_33 = arith.constant 1 : i32
    %while3A_34 = arith.divsi %while3A_31, %while3A_33 : i32
    %while3A_35 = arith.muli %while3A_34, %while3A_33 : i32
    %while3A_36 = arith.addi %while3A, %while3A_35 : i32
    %while3A_37 = arith.constant 1 : i32
    %while3A_38:10 = scf.for %while3A_44 = %while3A to %while3A_36 step %while3A_37 iter_args(%while3A_45 = %broadcast_in_dim3A_6, %while3A_46 = %broadcast_in_dim3A_4, %while3A_47 = %broadcast_in_dim3A_4, %while3A_48 = %broadcast_in_dim3A_4, %while3A_49 = %broadcast_in_dim3A_4, %while3A_50 = %broadcast_in_dim3A_4, %while3A_51 = %broadcast_in_dim3A_4, %while3A_52 = %broadcast_in_dim3A_4, %while3A_53 = %broadcast_in_dim3A_4, %while3A_54 = %broadcast_in_dim3A_4) -> (vector<16xf32>, vector<16xf32>, vector<16xf32>, vector<16xf32>, vector<16xf32>, vector<16xf32>, vector<16xf32>, vector<16xf32>, vector<16xf32>, vector<16xf32>)  : i32 {
      %rem3A_55 = arith.constant 2 : i32
      %rem3A_56 = arith.remsi %while3A_44, %rem3A_55 : i32
      %mul3A_57 = arith.constant 160 : i32
      %mul3A_58 = arith.muli %while3A_44, %mul3A_57 : i32
      %add3A_59 = arith.addi %multiple_of3A_24, %mul3A_58 : i32
      %min3A = arith.constant 319840 : i32
      %min3A_60 = arith.minsi %add3A_59, %min3A : i32
      %multiple_of3A_61 = tpu.assume_multiple %min3A_60, 8 : i32
      %eq3A = arith.constant 0 : i32
      %eq3A_62 = arith.cmpi eq, %rem3A_56, %eq3A : i32
      %convert_element_type3A_63 = arith.extui %eq3A_62 : i1 to i32
      %cond3A_64 = arith.constant 0 : i32
      %cond3A_65 = arith.cmpi ne, %convert_element_type3A_63, %cond3A_64 : i32
      scf.if %cond3A_65 {
        %dma_wait3A = arith.constant 0 : i32
        %dma_wait3A_145 = arith.constant 0 : i32
        %dma_wait3A_146 = arith.constant 0 : i32
        %dma_wait3A_147 = tpu.memref_slice %arg8[%dma_wait3A, %dma_wait3A_145, %dma_wait3A_146] : memref<2x160x128xf32, #tpu.memory_space<vmem>> -> memref<1x160x128xf32, #tpu.memory_space<vmem>>
        %dma_wait3A_148 = tpu.memref_squeeze %dma_wait3A_147 : memref<1x160x128xf32, #tpu.memory_space<vmem>> -> memref<160x128xf32, #tpu.memory_space<vmem>>
        %dma_wait3A_149 = arith.constant 0 : i32
        %dma_wait3A_150 = arith.constant 0 : i32
        %dma_wait3A_151 = tpu.memref_slice %arg2[%dma_wait3A_149, %dma_wait3A_150] : memref<320000x128xf32, #tpu.memory_space<hbm>> -> memref<160x128xf32, #tpu.memory_space<hbm>>
        %dma_wait3A_152 = arith.constant 0 : i32
        %dma_wait3A_153 = arith.constant 0 : i32
        %dma_wait3A_154 = tpu.memref_slice %arg8[%dma_wait3A, %dma_wait3A_152, %dma_wait3A_153] : memref<2x160x128xf32, #tpu.memory_space<vmem>> -> memref<1x160x128xf32, #tpu.memory_space<vmem>>
        %dma_wait3A_155 = tpu.memref_squeeze %dma_wait3A_154 : memref<1x160x128xf32, #tpu.memory_space<vmem>> -> memref<160x128xf32, #tpu.memory_space<vmem>>
        %dma_wait3A_156 = arith.constant 0 : i32
        %dma_wait3A_157 = arith.constant 0 : i32
        %dma_wait3A_158 = tpu.memref_slice %arg2[%dma_wait3A_156, %dma_wait3A_157] : memref<320000x128xf32, #tpu.memory_space<hbm>> -> memref<160x128xf32, #tpu.memory_space<hbm>>
        tpu.wait_dma2 semaphore(%arg13 : memref<!tpu.dma_semaphore, #tpu.memory_space<semaphore_mem>>) src(%dma_wait3A_158 : memref<160x128xf32, #tpu.memory_space<hbm>>) dst(%dma_wait3A_155 : memref<160x128xf32, #tpu.memory_space<vmem>>)
        %dma_wait3A_159 = arith.constant 0 : i32
        %dma_wait3A_160 = tpu.memref_slice %arg9[%dma_wait3A_159] : memref<176xi32, #tpu.memory_space<vmem>> -> memref<160xi32, #tpu.memory_space<vmem>>
        %dma_wait3A_161 = arith.constant 0 : i32
        %dma_wait3A_162 = tpu.memref_slice %arg3[%dma_wait3A_161] : memref<320000xi32, #tpu.memory_space<hbm>> -> memref<160xi32, #tpu.memory_space<hbm>>
        %dma_wait3A_163 = arith.constant 0 : i32
        %dma_wait3A_164 = tpu.memref_slice %arg9[%dma_wait3A_163] : memref<176xi32, #tpu.memory_space<vmem>> -> memref<160xi32, #tpu.memory_space<vmem>>
        %dma_wait3A_165 = arith.constant 0 : i32
        %dma_wait3A_166 = tpu.memref_slice %arg3[%dma_wait3A_165] : memref<320000xi32, #tpu.memory_space<hbm>> -> memref<160xi32, #tpu.memory_space<hbm>>
        tpu.wait_dma2 semaphore(%arg15 : memref<!tpu.dma_semaphore, #tpu.memory_space<semaphore_mem>>) src(%dma_wait3A_166 : memref<160xi32, #tpu.memory_space<hbm>>) dst(%dma_wait3A_164 : memref<160xi32, #tpu.memory_space<vmem>>)
      } else {
      }
      %eq3A_66 = arith.constant 1 : i32
      %eq3A_67 = arith.cmpi eq, %rem3A_56, %eq3A_66 : i32
      %convert_element_type3A_68 = arith.extui %eq3A_67 : i1 to i32
      %cond3A_69 = arith.constant 0 : i32
      %cond3A_70 = arith.cmpi ne, %convert_element_type3A_68, %cond3A_69 : i32
      scf.if %cond3A_70 {
        %dma_wait3A = arith.constant 1 : i32
        %dma_wait3A_145 = arith.constant 0 : i32
        %dma_wait3A_146 = arith.constant 0 : i32
        %dma_wait3A_147 = tpu.memref_slice %arg8[%dma_wait3A, %dma_wait3A_145, %dma_wait3A_146] : memref<2x160x128xf32, #tpu.memory_space<vmem>> -> memref<1x160x128xf32, #tpu.memory_space<vmem>>
        %dma_wait3A_148 = tpu.memref_squeeze %dma_wait3A_147 : memref<1x160x128xf32, #tpu.memory_space<vmem>> -> memref<160x128xf32, #tpu.memory_space<vmem>>
        %dma_wait3A_149 = arith.constant 0 : i32
        %dma_wait3A_150 = arith.constant 0 : i32
        %dma_wait3A_151 = tpu.memref_slice %arg2[%dma_wait3A_149, %dma_wait3A_150] : memref<320000x128xf32, #tpu.memory_space<hbm>> -> memref<160x128xf32, #tpu.memory_space<hbm>>
        %dma_wait3A_152 = arith.constant 0 : i32
        %dma_wait3A_153 = arith.constant 0 : i32
        %dma_wait3A_154 = tpu.memref_slice %arg8[%dma_wait3A, %dma_wait3A_152, %dma_wait3A_153] : memref<2x160x128xf32, #tpu.memory_space<vmem>> -> memref<1x160x128xf32, #tpu.memory_space<vmem>>
        %dma_wait3A_155 = tpu.memref_squeeze %dma_wait3A_154 : memref<1x160x128xf32, #tpu.memory_space<vmem>> -> memref<160x128xf32, #tpu.memory_space<vmem>>
        %dma_wait3A_156 = arith.constant 0 : i32
        %dma_wait3A_157 = arith.constant 0 : i32
        %dma_wait3A_158 = tpu.memref_slice %arg2[%dma_wait3A_156, %dma_wait3A_157] : memref<320000x128xf32, #tpu.memory_space<hbm>> -> memref<160x128xf32, #tpu.memory_space<hbm>>
        tpu.wait_dma2 semaphore(%arg14 : memref<!tpu.dma_semaphore, #tpu.memory_space<semaphore_mem>>) src(%dma_wait3A_158 : memref<160x128xf32, #tpu.memory_space<hbm>>) dst(%dma_wait3A_155 : memref<160x128xf32, #tpu.memory_space<vmem>>)
        %dma_wait3A_159 = arith.constant 0 : i32
        %dma_wait3A_160 = tpu.memref_slice %arg10[%dma_wait3A_159] : memref<176xi32, #tpu.memory_space<vmem>> -> memref<160xi32, #tpu.memory_space<vmem>>
        %dma_wait3A_161 = arith.constant 0 : i32
        %dma_wait3A_162 = tpu.memref_slice %arg3[%dma_wait3A_161] : memref<320000xi32, #tpu.memory_space<hbm>> -> memref<160xi32, #tpu.memory_space<hbm>>
        %dma_wait3A_163 = arith.constant 0 : i32
        %dma_wait3A_164 = tpu.memref_slice %arg10[%dma_wait3A_163] : memref<176xi32, #tpu.memory_space<vmem>> -> memref<160xi32, #tpu.memory_space<vmem>>
        %dma_wait3A_165 = arith.constant 0 : i32
        %dma_wait3A_166 = tpu.memref_slice %arg3[%dma_wait3A_165] : memref<320000xi32, #tpu.memory_space<hbm>> -> memref<160xi32, #tpu.memory_space<hbm>>
        tpu.wait_dma2 semaphore(%arg16 : memref<!tpu.dma_semaphore, #tpu.memory_space<semaphore_mem>>) src(%dma_wait3A_166 : memref<160xi32, #tpu.memory_space<hbm>>) dst(%dma_wait3A_164 : memref<160xi32, #tpu.memory_space<vmem>>)
      } else {
      }
      %add3A_71 = arith.constant 1 : i32
      %add3A_72 = arith.addi %while3A_44, %add3A_71 : i32
      %lt3A = arith.cmpi slt, %add3A_72, %div3A_28 : i32
      %rem3A_73 = arith.constant 2 : i32
      %rem3A_74 = arith.remsi %add3A_72, %rem3A_73 : i32
      %eq3A_75 = arith.constant 0 : i32
      %eq3A_76 = arith.cmpi eq, %rem3A_74, %eq3A_75 : i32
      %and3A = arith.andi %lt3A, %eq3A_76 : i1
      %convert_element_type3A_77 = arith.extui %and3A : i1 to i32
      %cond3A_78 = arith.constant 0 : i32
      %cond3A_79 = arith.cmpi ne, %convert_element_type3A_77, %cond3A_78 : i32
      scf.if %cond3A_79 {
        %mul3A_145 = arith.constant 160 : i32
        %mul3A_146 = arith.muli %add3A_72, %mul3A_145 : i32
        %add3A_147 = arith.addi %multiple_of3A_24, %mul3A_146 : i32
        %min3A_148 = arith.constant 319840 : i32
        %min3A_149 = arith.minsi %add3A_147, %min3A_148 : i32
        %multiple_of3A_150 = tpu.assume_multiple %min3A_149, 8 : i32
        %dma_start3A = arith.constant 0 : i32
        %dma_start3A_151 = arith.constant 0 : i32
        %dma_start3A_152 = arith.constant 0 : i32
        %dma_start3A_153 = tpu.memref_slice %arg8[%dma_start3A, %dma_start3A_151, %dma_start3A_152] : memref<2x160x128xf32, #tpu.memory_space<vmem>> -> memref<1x160x128xf32, #tpu.memory_space<vmem>>
        %dma_start3A_154 = tpu.memref_squeeze %dma_start3A_153 : memref<1x160x128xf32, #tpu.memory_space<vmem>> -> memref<160x128xf32, #tpu.memory_space<vmem>>
        %dma_start3A_155 = arith.constant 0 : i32
        %dma_start3A_156 = tpu.memref_slice %arg2[%multiple_of3A_150, %dma_start3A_155] : memref<320000x128xf32, #tpu.memory_space<hbm>> -> memref<160x128xf32, #tpu.memory_space<hbm>>
        %dma_start3A_157 = arith.constant 0 : i32
        %dma_start3A_158 = arith.constant 0 : i32
        %dma_start3A_159 = tpu.memref_slice %arg8[%dma_start3A, %dma_start3A_157, %dma_start3A_158] : memref<2x160x128xf32, #tpu.memory_space<vmem>> -> memref<1x160x128xf32, #tpu.memory_space<vmem>>
        %dma_start3A_160 = tpu.memref_squeeze %dma_start3A_159 : memref<1x160x128xf32, #tpu.memory_space<vmem>> -> memref<160x128xf32, #tpu.memory_space<vmem>>
        %dma_start3A_161 = arith.constant 0 : i32
        %dma_start3A_162 = tpu.memref_slice %arg2[%multiple_of3A_150, %dma_start3A_161] : memref<320000x128xf32, #tpu.memory_space<hbm>> -> memref<160x128xf32, #tpu.memory_space<hbm>>
        tpu.enqueue_dma source(%dma_start3A_162 : memref<160x128xf32, #tpu.memory_space<hbm>>) target(%dma_start3A_160 : memref<160x128xf32, #tpu.memory_space<vmem>>) target_semaphore(%arg13 : memref<!tpu.dma_semaphore, #tpu.memory_space<semaphore_mem>>)
        %dma_start3A_163 = arith.constant 0 : i32
        %dma_start3A_164 = tpu.memref_slice %arg9[%dma_start3A_163] : memref<176xi32, #tpu.memory_space<vmem>> -> memref<160xi32, #tpu.memory_space<vmem>>
        %dma_start3A_165 = tpu.memref_slice %arg3[%multiple_of3A_150] : memref<320000xi32, #tpu.memory_space<hbm>> -> memref<160xi32, #tpu.memory_space<hbm>>
        %dma_start3A_166 = arith.constant 0 : i32
        %dma_start3A_167 = tpu.memref_slice %arg9[%dma_start3A_166] : memref<176xi32, #tpu.memory_space<vmem>> -> memref<160xi32, #tpu.memory_space<vmem>>
        %dma_start3A_168 = tpu.memref_slice %arg3[%multiple_of3A_150] : memref<320000xi32, #tpu.memory_space<hbm>> -> memref<160xi32, #tpu.memory_space<hbm>>
        tpu.enqueue_dma source(%dma_start3A_168 : memref<160xi32, #tpu.memory_space<hbm>>) target(%dma_start3A_167 : memref<160xi32, #tpu.memory_space<vmem>>) target_semaphore(%arg15 : memref<!tpu.dma_semaphore, #tpu.memory_space<semaphore_mem>>)
      } else {
      }
      %lt3A_80 = arith.cmpi slt, %add3A_72, %div3A_28 : i32
      %rem3A_81 = arith.constant 2 : i32
      %rem3A_82 = arith.remsi %add3A_72, %rem3A_81 : i32
      %eq3A_83 = arith.constant 1 : i32
      %eq3A_84 = arith.cmpi eq, %rem3A_82, %eq3A_83 : i32
      %and3A_85 = arith.andi %lt3A_80, %eq3A_84 : i1
      %convert_element_type3A_86 = arith.extui %and3A_85 : i1 to i32
      %cond3A_87 = arith.constant 0 : i32
      %cond3A_88 = arith.cmpi ne, %convert_element_type3A_86, %cond3A_87 : i32
      scf.if %cond3A_88 {
        %mul3A_145 = arith.constant 160 : i32
        %mul3A_146 = arith.muli %add3A_72, %mul3A_145 : i32
        %add3A_147 = arith.addi %multiple_of3A_24, %mul3A_146 : i32
        %min3A_148 = arith.constant 319840 : i32
        %min3A_149 = arith.minsi %add3A_147, %min3A_148 : i32
        %multiple_of3A_150 = tpu.assume_multiple %min3A_149, 8 : i32
        %dma_start3A = arith.constant 1 : i32
        %dma_start3A_151 = arith.constant 0 : i32
        %dma_start3A_152 = arith.constant 0 : i32
        %dma_start3A_153 = tpu.memref_slice %arg8[%dma_start3A, %dma_start3A_151, %dma_start3A_152] : memref<2x160x128xf32, #tpu.memory_space<vmem>> -> memref<1x160x128xf32, #tpu.memory_space<vmem>>
        %dma_start3A_154 = tpu.memref_squeeze %dma_start3A_153 : memref<1x160x128xf32, #tpu.memory_space<vmem>> -> memref<160x128xf32, #tpu.memory_space<vmem>>
        %dma_start3A_155 = arith.constant 0 : i32
        %dma_start3A_156 = tpu.memref_slice %arg2[%multiple_of3A_150, %dma_start3A_155] : memref<320000x128xf32, #tpu.memory_space<hbm>> -> memref<160x128xf32, #tpu.memory_space<hbm>>
        %dma_start3A_157 = arith.constant 0 : i32
        %dma_start3A_158 = arith.constant 0 : i32
        %dma_start3A_159 = tpu.memref_slice %arg8[%dma_start3A, %dma_start3A_157, %dma_start3A_158] : memref<2x160x128xf32, #tpu.memory_space<vmem>> -> memref<1x160x128xf32, #tpu.memory_space<vmem>>
        %dma_start3A_160 = tpu.memref_squeeze %dma_start3A_159 : memref<1x160x128xf32, #tpu.memory_space<vmem>> -> memref<160x128xf32, #tpu.memory_space<vmem>>
        %dma_start3A_161 = arith.constant 0 : i32
        %dma_start3A_162 = tpu.memref_slice %arg2[%multiple_of3A_150, %dma_start3A_161] : memref<320000x128xf32, #tpu.memory_space<hbm>> -> memref<160x128xf32, #tpu.memory_space<hbm>>
        tpu.enqueue_dma source(%dma_start3A_162 : memref<160x128xf32, #tpu.memory_space<hbm>>) target(%dma_start3A_160 : memref<160x128xf32, #tpu.memory_space<vmem>>) target_semaphore(%arg14 : memref<!tpu.dma_semaphore, #tpu.memory_space<semaphore_mem>>)
        %dma_start3A_163 = arith.constant 0 : i32
        %dma_start3A_164 = tpu.memref_slice %arg10[%dma_start3A_163] : memref<176xi32, #tpu.memory_space<vmem>> -> memref<160xi32, #tpu.memory_space<vmem>>
        %dma_start3A_165 = tpu.memref_slice %arg3[%multiple_of3A_150] : memref<320000xi32, #tpu.memory_space<hbm>> -> memref<160xi32, #tpu.memory_space<hbm>>
        %dma_start3A_166 = arith.constant 0 : i32
        %dma_start3A_167 = tpu.memref_slice %arg10[%dma_start3A_166] : memref<176xi32, #tpu.memory_space<vmem>> -> memref<160xi32, #tpu.memory_space<vmem>>
        %dma_start3A_168 = tpu.memref_slice %arg3[%multiple_of3A_150] : memref<320000xi32, #tpu.memory_space<hbm>> -> memref<160xi32, #tpu.memory_space<hbm>>
        tpu.enqueue_dma source(%dma_start3A_168 : memref<160xi32, #tpu.memory_space<hbm>>) target(%dma_start3A_167 : memref<160xi32, #tpu.memory_space<vmem>>) target_semaphore(%arg16 : memref<!tpu.dma_semaphore, #tpu.memory_space<semaphore_mem>>)
      } else {
      }
      %mul3A_89 = arith.constant 160 : i32
      %mul3A_90 = arith.muli %while3A_44, %mul3A_89 : i32
      %add3A_91 = arith.addi %multiple_of3A_24, %mul3A_90 : i32
      %max3A = arith.maxsi %squeeze3A, %add3A_91 : i32
      %sub3A_92 = arith.subi %max3A, %multiple_of3A_61 : i32
      %add3A_93 = arith.constant 1 : i32
      %add3A_94 = arith.addi %while3A_44, %add3A_93 : i32
      %mul3A_95 = arith.constant 160 : i32
      %mul3A_96 = arith.muli %add3A_94, %mul3A_95 : i32
      %add3A_97 = arith.addi %multiple_of3A_24, %mul3A_96 : i32
      %min3A_98 = arith.minsi %squeeze3A_20, %add3A_97 : i32
      %sub3A_99 = arith.subi %min3A_98, %multiple_of3A_61 : i32
      %gt3A_100 = arith.cmpi sgt, %sub3A_99, %sub3A_92 : i32
      %get3A_101 = arith.index_cast %sub3A_92 : i32 to index
      %get3A_102 = tpu.vector_load %arg9[%get3A_101] {strides = array<i32>} : memref<176xi32, #tpu.memory_space<vmem>>, vector<16xi32>,
      %slice3A_103 = vector.extract_strided_slice %get3A_102 {offsets = [0], sizes = [1], strides = [1]} : vector<16xi32> to vector<1xi32>
      %squeeze3A_104 = vector.extract %slice3A_103[0] : i32 from vector<1xi32>
      %get3A_105 = arith.index_cast %sub3A_92 : i32 to index
      %get3A_106 = tpu.vector_load %arg10[%get3A_105] {strides = array<i32>} : memref<176xi32, #tpu.memory_space<vmem>>, vector<16xi32>,
      %slice3A_107 = vector.extract_strided_slice %get3A_106 {offsets = [0], sizes = [1], strides = [1]} : vector<16xi32> to vector<1xi32>
      %squeeze3A_108 = vector.extract %slice3A_107[0] : i32 from vector<1xi32>
      %sub3A_109 = arith.constant 1 : i32
      %sub3A_110 = arith.subi %sub3A_99, %sub3A_109 : i32
      %max3A_111 = arith.constant 0 : i32
      %max3A_112 = arith.maxsi %sub3A_110, %max3A_111 : i32
      %get3A_113 = arith.index_cast %max3A_112 : i32 to index
      %get3A_114 = tpu.vector_load %arg9[%get3A_113] {strides = array<i32>} : memref<176xi32, #tpu.memory_space<vmem>>, vector<16xi32>,
      %slice3A_115 = vector.extract_strided_slice %get3A_114 {offsets = [0], sizes = [1], strides = [1]} : vector<16xi32> to vector<1xi32>
      %squeeze3A_116 = vector.extract %slice3A_115[0] : i32 from vector<1xi32>
      %sub3A_117 = arith.constant 1 : i32
      %sub3A_118 = arith.subi %sub3A_99, %sub3A_117 : i32
      %max3A_119 = arith.constant 0 : i32
      %max3A_120 = arith.maxsi %sub3A_118, %max3A_119 : i32
      %get3A_121 = arith.index_cast %max3A_120 : i32 to index
      %get3A_122 = tpu.vector_load %arg10[%get3A_121] {strides = array<i32>} : memref<176xi32, #tpu.memory_space<vmem>>, vector<16xi32>,
      %slice3A_123 = vector.extract_strided_slice %get3A_122 {offsets = [0], sizes = [1], strides = [1]} : vector<16xi32> to vector<1xi32>
      %squeeze3A_124 = vector.extract %slice3A_123[0] : i32 from vector<1xi32>
      %eq3A_125 = arith.constant 0 : i32
      %eq3A_126 = arith.cmpi eq, %rem3A_56, %eq3A_125 : i32
      %select_n3A = arith.select %eq3A_126, %squeeze3A_104, %squeeze3A_108 : i32
      %eq3A_127 = arith.constant 0 : i32
      %eq3A_128 = arith.cmpi eq, %rem3A_56, %eq3A_127 : i32
      %select_n3A_129 = arith.select %eq3A_128, %squeeze3A_116, %squeeze3A_124 : i32
      %jit3A = arith.constant 1 : i32
      %select_n3A_130 = arith.select %gt3A_100, %select_n3A, %jit3A : i32
      %jit3A_131 = arith.constant 0 : i32
      %select_n3A_132 = arith.select %gt3A_100, %select_n3A_129, %jit3A_131 : i32
      %add3A_133 = arith.constant 1 : i32
      %add3A_134 = arith.addi %select_n3A_132, %add3A_133 : i32
      %while3A_135 = arith.subi %add3A_134, %select_n3A_130 : i32
      %while3A_136 = arith.addi %select_n3A_130, %while3A_135 : i32
      %while3A_137 = arith.constant 1 : i32
      %while3A_138 = arith.divsi %while3A_135, %while3A_137 : i32
      %while3A_139 = arith.muli %while3A_138, %while3A_137 : i32
      %while3A_140 = arith.addi %select_n3A_130, %while3A_139 : i32
      %while3A_141 = arith.constant 1 : i32
      %while3A_142:10 = scf.for %while3A_145 = %select_n3A_130 to %while3A_140 step %while3A_141 iter_args(%while3A_146 = %while3A_45, %while3A_147 = %while3A_46, %while3A_148 = %while3A_47, %while3A_149 = %while3A_48, %while3A_150 = %while3A_49, %while3A_151 = %while3A_50, %while3A_152 = %while3A_51, %while3A_153 = %while3A_52, %while3A_154 = %while3A_53, %while3A_155 = %while3A_54) -> (vector<16xf32>, vector<16xf32>, vector<16xf32>, vector<16xf32>, vector<16xf32>, vector<16xf32>, vector<16xf32>, vector<16xf32>, vector<16xf32>, vector<16xf32>)  : i32 {
        %sub3A_156 = arith.subi %while3A_145, %multiple_of3A : i32
        %get3A_157 = arith.index_cast %sub3A_156 : i32 to index
        %get3A_158 = tpu.vector_load %arg7[%get3A_157] {strides = array<i32>} : memref<352xi32, #tpu.memory_space<vmem>>, vector<16xi32>,
        %slice3A_159 = vector.extract_strided_slice %get3A_158 {offsets = [0], sizes = [1], strides = [1]} : vector<16xi32> to vector<1xi32>
        %squeeze3A_160 = vector.extract %slice3A_159[0] : i32 from vector<1xi32>
        %slice3A_161 = vector.extract_strided_slice %get3A_158 {offsets = [1], sizes = [1], strides = [1]} : vector<16xi32> to vector<1xi32>
        %squeeze3A_162 = vector.extract %slice3A_161[0] : i32 from vector<1xi32>
        %add3A_163 = arith.addi %multiple_of3A_61, %sub3A_92 : i32
        %ge3A = arith.cmpi sge, %squeeze3A_160, %add3A_163 : i32
        %select_n3A_164 = arith.select %ge3A, %broadcast_in_dim3A_6, %while3A_146 : vector<16xf32>
        %select_n3A_165 = arith.select %ge3A, %broadcast_in_dim3A_4, %while3A_147 : vector<16xf32>
        %select_n3A_166 = arith.select %ge3A, %broadcast_in_dim3A_4, %while3A_148 : vector<16xf32>
        %select_n3A_167 = arith.select %ge3A, %broadcast_in_dim3A_4, %while3A_149 : vector<16xf32>
        %select_n3A_168 = arith.select %ge3A, %broadcast_in_dim3A_4, %while3A_150 : vector<16xf32>
        %select_n3A_169 = arith.select %ge3A, %broadcast_in_dim3A_4, %while3A_151 : vector<16xf32>
        %select_n3A_170 = arith.select %ge3A, %broadcast_in_dim3A_4, %while3A_152 : vector<16xf32>
        %select_n3A_171 = arith.select %ge3A, %broadcast_in_dim3A_4, %while3A_153 : vector<16xf32>
        %select_n3A_172 = arith.select %ge3A, %broadcast_in_dim3A_4, %while3A_154 : vector<16xf32>
        %select_n3A_173 = arith.select %ge3A, %broadcast_in_dim3A_4, %while3A_155 : vector<16xf32>
        %sub3A_174 = arith.subi %while3A_145, %mul3A_2 : i32
        %get3A_175 = arith.index_cast %sub3A_174 : i32 to index
        %get3A_176 = arith.constant 0 : index
        %get3A_177 = tpu.vector_load %arg11[%get3A_175, %get3A_176] {strides = array<i32>} : memref<320x128xf32, #tpu.memory_space<vmem>>, vector<16xf32>,
        %get3A_178 = arith.index_cast %sub3A_174 : i32 to index
        %get3A_179 = arith.constant 16 : index
        %get3A_180 = tpu.vector_load %arg11[%get3A_178, %get3A_179] {strides = array<i32>} : memref<320x128xf32, #tpu.memory_space<vmem>>, vector<16xf32>,
        %get3A_181 = arith.index_cast %sub3A_174 : i32 to index
        %get3A_182 = arith.constant 32 : index
        %get3A_183 = tpu.vector_load %arg11[%get3A_181, %get3A_182] {strides = array<i32>} : memref<320x128xf32, #tpu.memory_space<vmem>>, vector<16xf32>,
        %get3A_184 = arith.index_cast %sub3A_174 : i32 to index
        %get3A_185 = arith.constant 48 : index
        %get3A_186 = tpu.vector_load %arg11[%get3A_184, %get3A_185] {strides = array<i32>} : memref<320x128xf32, #tpu.memory_space<vmem>>, vector<16xf32>,
        %get3A_187 = arith.index_cast %sub3A_174 : i32 to index
        %get3A_188 = arith.constant 64 : index
        %get3A_189 = tpu.vector_load %arg11[%get3A_187, %get3A_188] {strides = array<i32>} : memref<320x128xf32, #tpu.memory_space<vmem>>, vector<16xf32>,
        %get3A_190 = arith.index_cast %sub3A_174 : i32 to index
        %get3A_191 = arith.constant 80 : index
        %get3A_192 = tpu.vector_load %arg11[%get3A_190, %get3A_191] {strides = array<i32>} : memref<320x128xf32, #tpu.memory_space<vmem>>, vector<16xf32>,
        %get3A_193 = arith.index_cast %sub3A_174 : i32 to index
        %get3A_194 = arith.constant 96 : index
        %get3A_195 = tpu.vector_load %arg11[%get3A_193, %get3A_194] {strides = array<i32>} : memref<320x128xf32, #tpu.memory_space<vmem>>, vector<16xf32>,
        %get3A_196 = arith.index_cast %sub3A_174 : i32 to index
        %get3A_197 = arith.constant 112 : index
        %get3A_198 = tpu.vector_load %arg11[%get3A_196, %get3A_197] {strides = array<i32>} : memref<320x128xf32, #tpu.memory_space<vmem>>, vector<16xf32>,
        %sub3A_199 = arith.subi %squeeze3A_160, %multiple_of3A_61 : i32
        %max3A_200 = arith.maxsi %sub3A_92, %sub3A_199 : i32
        %sub3A_201 = arith.subi %squeeze3A_162, %multiple_of3A_61 : i32
        %min3A_202 = arith.minsi %sub3A_99, %sub3A_201 : i32
        %while3A_203 = arith.subi %min3A_202, %max3A_200 : i32
        %while3A_204 = arith.addi %max3A_200, %while3A_203 : i32
        %while3A_205 = arith.constant 1 : i32
        %while3A_206 = arith.divsi %while3A_203, %while3A_205 : i32
        %while3A_207 = arith.muli %while3A_206, %while3A_205 : i32
        %while3A_208 = arith.addi %max3A_200, %while3A_207 : i32
        %while3A_209 = arith.constant 1 : i32
        %while3A_210:10 = scf.for %while3A_217 = %max3A_200 to %while3A_208 step %while3A_209 iter_args(%while3A_218 = %select_n3A_164, %while3A_219 = %select_n3A_165, %while3A_220 = %select_n3A_166, %while3A_221 = %select_n3A_167, %while3A_222 = %select_n3A_168, %while3A_223 = %select_n3A_169, %while3A_224 = %select_n3A_170, %while3A_225 = %select_n3A_171, %while3A_226 = %select_n3A_172, %while3A_227 = %select_n3A_173) -> (vector<16xf32>, vector<16xf32>, vector<16xf32>, vector<16xf32>, vector<16xf32>, vector<16xf32>, vector<16xf32>, vector<16xf32>, vector<16xf32>, vector<16xf32>)  : i32 {
          %get3A_228 = arith.index_cast %rem3A_56 : i32 to index
          %get3A_229 = arith.index_cast %while3A_217 : i32 to index
          %get3A_230 = arith.constant 0 : index
          %get3A_231 = tpu.vector_load %arg8[%get3A_228, %get3A_229, %get3A_230] {strides = array<i32>} : memref<2x160x128xf32, #tpu.memory_space<vmem>>, vector<16xf32>,
          %get3A_232 = arith.index_cast %rem3A_56 : i32 to index
          %get3A_233 = arith.index_cast %while3A_217 : i32 to index
          %get3A_234 = arith.constant 16 : index
          %get3A_235 = tpu.vector_load %arg8[%get3A_232, %get3A_233, %get3A_234] {strides = array<i32>} : memref<2x160x128xf32, #tpu.memory_space<vmem>>, vector<16xf32>,
          %get3A_236 = arith.index_cast %rem3A_56 : i32 to index
          %get3A_237 = arith.index_cast %while3A_217 : i32 to index
          %get3A_238 = arith.constant 32 : index
          %get3A_239 = tpu.vector_load %arg8[%get3A_236, %get3A_237, %get3A_238] {strides = array<i32>} : memref<2x160x128xf32, #tpu.memory_space<vmem>>, vector<16xf32>,
          %get3A_240 = arith.index_cast %rem3A_56 : i32 to index
          %get3A_241 = arith.index_cast %while3A_217 : i32 to index
          %get3A_242 = arith.constant 48 : index
          %get3A_243 = tpu.vector_load %arg8[%get3A_240, %get3A_241, %get3A_242] {strides = array<i32>} : memref<2x160x128xf32, #tpu.memory_space<vmem>>, vector<16xf32>,
          %get3A_244 = arith.index_cast %rem3A_56 : i32 to index
          %get3A_245 = arith.index_cast %while3A_217 : i32 to index
          %get3A_246 = arith.constant 64 : index
          %get3A_247 = tpu.vector_load %arg8[%get3A_244, %get3A_245, %get3A_246] {strides = array<i32>} : memref<2x160x128xf32, #tpu.memory_space<vmem>>, vector<16xf32>,
          %get3A_248 = arith.index_cast %rem3A_56 : i32 to index
          %get3A_249 = arith.index_cast %while3A_217 : i32 to index
          %get3A_250 = arith.constant 80 : index
          %get3A_251 = tpu.vector_load %arg8[%get3A_248, %get3A_249, %get3A_250] {strides = array<i32>} : memref<2x160x128xf32, #tpu.memory_space<vmem>>, vector<16xf32>,
          %get3A_252 = arith.index_cast %rem3A_56 : i32 to index
          %get3A_253 = arith.index_cast %while3A_217 : i32 to index
          %get3A_254 = arith.constant 96 : index
          %get3A_255 = tpu.vector_load %arg8[%get3A_252, %get3A_253, %get3A_254] {strides = array<i32>} : memref<2x160x128xf32, #tpu.memory_space<vmem>>, vector<16xf32>,
          %get3A_256 = arith.index_cast %rem3A_56 : i32 to index
          %get3A_257 = arith.index_cast %while3A_217 : i32 to index
          %get3A_258 = arith.constant 112 : index
          %get3A_259 = tpu.vector_load %arg8[%get3A_256, %get3A_257, %get3A_258] {strides = array<i32>} : memref<2x160x128xf32, #tpu.memory_space<vmem>>, vector<16xf32>,
          %mul3A_260 = arith.mulf %get3A_231, %get3A_177 : vector<16xf32>
          %mul3A_261 = arith.mulf %get3A_235, %get3A_180 : vector<16xf32>
          %add3A_262 = arith.addf %mul3A_260, %mul3A_261 : vector<16xf32>
          %mul3A_263 = arith.mulf %get3A_239, %get3A_183 : vector<16xf32>
          %mul3A_264 = arith.mulf %get3A_243, %get3A_186 : vector<16xf32>
          %add3A_265 = arith.addf %mul3A_263, %mul3A_264 : vector<16xf32>
          %mul3A_266 = arith.mulf %get3A_247, %get3A_189 : vector<16xf32>
          %mul3A_267 = arith.mulf %get3A_251, %get3A_192 : vector<16xf32>
          %add3A_268 = arith.addf %mul3A_266, %mul3A_267 : vector<16xf32>
          %mul3A_269 = arith.mulf %get3A_255, %get3A_195 : vector<16xf32>
          %mul3A_270 = arith.mulf %get3A_259, %get3A_198 : vector<16xf32>
          %add3A_271 = arith.addf %mul3A_269, %mul3A_270 : vector<16xf32>
          %add3A_272 = arith.addf %add3A_262, %add3A_265 : vector<16xf32>
          %add3A_273 = arith.addf %add3A_268, %add3A_271 : vector<16xf32>
          %add3A_274 = arith.addf %add3A_272, %add3A_273 : vector<16xf32>
          %reduce_sum3A = arith.constant true
          %reduce_sum3A_275 = vector.broadcast %reduce_sum3A : i1 to vector<16xi1>
          %reduce_sum3A_276 = tpu.scan <sum>, %add3A_274 masked %reduce_sum3A_275 : vector<16xf32>, vector<16xi1> -> vector<16xf32>
          %reduce_sum3A_277 = vector.extract %reduce_sum3A_276[15] : f32 from vector<16xf32>
          %broadcast_in_dim3A_278 = vector.broadcast %reduce_sum3A_277 : f32 to vector<16xf32>
          %max3A_279 = arith.maximumf %while3A_218, %broadcast_in_dim3A_278 : vector<16xf32>
          %sub3A_280 = arith.subf %while3A_218, %max3A_279 : vector<16xf32>
          %exp3A = math.exp %sub3A_280 : vector<16xf32>
          %sub3A_281 = arith.subf %broadcast_in_dim3A_278, %max3A_279 : vector<16xf32>
          %exp3A_282 = math.exp %sub3A_281 : vector<16xf32>
          %mul3A_283 = arith.mulf %while3A_219, %exp3A : vector<16xf32>
          %add3A_284 = arith.addf %mul3A_283, %exp3A_282 : vector<16xf32>
          %mul3A_285 = arith.mulf %while3A_220, %exp3A : vector<16xf32>
          %mul3A_286 = arith.mulf %get3A_231, %exp3A_282 : vector<16xf32>
          %add3A_287 = arith.addf %mul3A_285, %mul3A_286 : vector<16xf32>
          %mul3A_288 = arith.mulf %while3A_221, %exp3A : vector<16xf32>
          %mul3A_289 = arith.mulf %get3A_235, %exp3A_282 : vector<16xf32>
          %add3A_290 = arith.addf %mul3A_288, %mul3A_289 : vector<16xf32>
          %mul3A_291 = arith.mulf %while3A_222, %exp3A : vector<16xf32>
          %mul3A_292 = arith.mulf %get3A_239, %exp3A_282 : vector<16xf32>
          %add3A_293 = arith.addf %mul3A_291, %mul3A_292 : vector<16xf32>
          %mul3A_294 = arith.mulf %while3A_223, %exp3A : vector<16xf32>
          %mul3A_295 = arith.mulf %get3A_243, %exp3A_282 : vector<16xf32>
          %add3A_296 = arith.addf %mul3A_294, %mul3A_295 : vector<16xf32>
          %mul3A_297 = arith.mulf %while3A_224, %exp3A : vector<16xf32>
          %mul3A_298 = arith.mulf %get3A_247, %exp3A_282 : vector<16xf32>
          %add3A_299 = arith.addf %mul3A_297, %mul3A_298 : vector<16xf32>
          %mul3A_300 = arith.mulf %while3A_225, %exp3A : vector<16xf32>
          %mul3A_301 = arith.mulf %get3A_251, %exp3A_282 : vector<16xf32>
          %add3A_302 = arith.addf %mul3A_300, %mul3A_301 : vector<16xf32>
          %mul3A_303 = arith.mulf %while3A_226, %exp3A : vector<16xf32>
          %mul3A_304 = arith.mulf %get3A_255, %exp3A_282 : vector<16xf32>
          %add3A_305 = arith.addf %mul3A_303, %mul3A_304 : vector<16xf32>
          %mul3A_306 = arith.mulf %while3A_227, %exp3A : vector<16xf32>
          %mul3A_307 = arith.mulf %get3A_259, %exp3A_282 : vector<16xf32>
          %add3A_308 = arith.addf %mul3A_306, %mul3A_307 : vector<16xf32>
          scf.yield %max3A_279, %add3A_284, %add3A_287, %add3A_290, %add3A_293, %add3A_296, %add3A_299, %add3A_302, %add3A_305, %add3A_308 : vector<16xf32>, vector<16xf32>, vector<16xf32>, vector<16xf32>, vector<16xf32>, vector<16xf32>, vector<16xf32>, vector<16xf32>, vector<16xf32>, vector<16xf32>
        }
        %while3A_211 = arith.constant 1 : i32
        %while3A_212:10 = scf.for %while3A_217 = %while3A_208 to %while3A_204 step %while3A_211 iter_args(%while3A_218 = %while3A_210#0, %while3A_219 = %while3A_210#1, %while3A_220 = %while3A_210#2, %while3A_221 = %while3A_210#3, %while3A_222 = %while3A_210#4, %while3A_223 = %while3A_210#5, %while3A_224 = %while3A_210#6, %while3A_225 = %while3A_210#7, %while3A_226 = %while3A_210#8, %while3A_227 = %while3A_210#9) -> (vector<16xf32>, vector<16xf32>, vector<16xf32>, vector<16xf32>, vector<16xf32>, vector<16xf32>, vector<16xf32>, vector<16xf32>, vector<16xf32>, vector<16xf32>)  : i32 {
          %get3A_228 = arith.index_cast %rem3A_56 : i32 to index
          %get3A_229 = arith.index_cast %while3A_217 : i32 to index
          %get3A_230 = arith.constant 0 : index
          %get3A_231 = tpu.vector_load %arg8[%get3A_228, %get3A_229, %get3A_230] {strides = array<i32>} : memref<2x160x128xf32, #tpu.memory_space<vmem>>, vector<16xf32>,
          %get3A_232 = arith.index_cast %rem3A_56 : i32 to index
          %get3A_233 = arith.index_cast %while3A_217 : i32 to index
          %get3A_234 = arith.constant 16 : index
          %get3A_235 = tpu.vector_load %arg8[%get3A_232, %get3A_233, %get3A_234] {strides = array<i32>} : memref<2x160x128xf32, #tpu.memory_space<vmem>>, vector<16xf32>,
          %get3A_236 = arith.index_cast %rem3A_56 : i32 to index
          %get3A_237 = arith.index_cast %while3A_217 : i32 to index
          %get3A_238 = arith.constant 32 : index
          %get3A_239 = tpu.vector_load %arg8[%get3A_236, %get3A_237, %get3A_238] {strides = array<i32>} : memref<2x160x128xf32, #tpu.memory_space<vmem>>, vector<16xf32>,
          %get3A_240 = arith.index_cast %rem3A_56 : i32 to index
          %get3A_241 = arith.index_cast %while3A_217 : i32 to index
          %get3A_242 = arith.constant 48 : index
          %get3A_243 = tpu.vector_load %arg8[%get3A_240, %get3A_241, %get3A_242] {strides = array<i32>} : memref<2x160x128xf32, #tpu.memory_space<vmem>>, vector<16xf32>,
          %get3A_244 = arith.index_cast %rem3A_56 : i32 to index
          %get3A_245 = arith.index_cast %while3A_217 : i32 to index
          %get3A_246 = arith.constant 64 : index
          %get3A_247 = tpu.vector_load %arg8[%get3A_244, %get3A_245, %get3A_246] {strides = array<i32>} : memref<2x160x128xf32, #tpu.memory_space<vmem>>, vector<16xf32>,
          %get3A_248 = arith.index_cast %rem3A_56 : i32 to index
          %get3A_249 = arith.index_cast %while3A_217 : i32 to index
          %get3A_250 = arith.constant 80 : index
          %get3A_251 = tpu.vector_load %arg8[%get3A_248, %get3A_249, %get3A_250] {strides = array<i32>} : memref<2x160x128xf32, #tpu.memory_space<vmem>>, vector<16xf32>,
          %get3A_252 = arith.index_cast %rem3A_56 : i32 to index
          %get3A_253 = arith.index_cast %while3A_217 : i32 to index
          %get3A_254 = arith.constant 96 : index
          %get3A_255 = tpu.vector_load %arg8[%get3A_252, %get3A_253, %get3A_254] {strides = array<i32>} : memref<2x160x128xf32, #tpu.memory_space<vmem>>, vector<16xf32>,
          %get3A_256 = arith.index_cast %rem3A_56 : i32 to index
          %get3A_257 = arith.index_cast %while3A_217 : i32 to index
          %get3A_258 = arith.constant 112 : index
          %get3A_259 = tpu.vector_load %arg8[%get3A_256, %get3A_257, %get3A_258] {strides = array<i32>} : memref<2x160x128xf32, #tpu.memory_space<vmem>>, vector<16xf32>,
          %mul3A_260 = arith.mulf %get3A_231, %get3A_177 : vector<16xf32>
          %mul3A_261 = arith.mulf %get3A_235, %get3A_180 : vector<16xf32>
          %add3A_262 = arith.addf %mul3A_260, %mul3A_261 : vector<16xf32>
          %mul3A_263 = arith.mulf %get3A_239, %get3A_183 : vector<16xf32>
          %mul3A_264 = arith.mulf %get3A_243, %get3A_186 : vector<16xf32>
          %add3A_265 = arith.addf %mul3A_263, %mul3A_264 : vector<16xf32>
          %mul3A_266 = arith.mulf %get3A_247, %get3A_189 : vector<16xf32>
          %mul3A_267 = arith.mulf %get3A_251, %get3A_192 : vector<16xf32>
          %add3A_268 = arith.addf %mul3A_266, %mul3A_267 : vector<16xf32>
          %mul3A_269 = arith.mulf %get3A_255, %get3A_195 : vector<16xf32>
          %mul3A_270 = arith.mulf %get3A_259, %get3A_198 : vector<16xf32>
          %add3A_271 = arith.addf %mul3A_269, %mul3A_270 : vector<16xf32>
          %add3A_272 = arith.addf %add3A_262, %add3A_265 : vector<16xf32>
          %add3A_273 = arith.addf %add3A_268, %add3A_271 : vector<16xf32>
          %add3A_274 = arith.addf %add3A_272, %add3A_273 : vector<16xf32>
          %reduce_sum3A = arith.constant true
          %reduce_sum3A_275 = vector.broadcast %reduce_sum3A : i1 to vector<16xi1>
          %reduce_sum3A_276 = tpu.scan <sum>, %add3A_274 masked %reduce_sum3A_275 : vector<16xf32>, vector<16xi1> -> vector<16xf32>
          %reduce_sum3A_277 = vector.extract %reduce_sum3A_276[15] : f32 from vector<16xf32>
          %broadcast_in_dim3A_278 = vector.broadcast %reduce_sum3A_277 : f32 to vector<16xf32>
          %max3A_279 = arith.maximumf %while3A_218, %broadcast_in_dim3A_278 : vector<16xf32>
          %sub3A_280 = arith.subf %while3A_218, %max3A_279 : vector<16xf32>
          %exp3A = math.exp %sub3A_280 : vector<16xf32>
          %sub3A_281 = arith.subf %broadcast_in_dim3A_278, %max3A_279 : vector<16xf32>
          %exp3A_282 = math.exp %sub3A_281 : vector<16xf32>
          %mul3A_283 = arith.mulf %while3A_219, %exp3A : vector<16xf32>
          %add3A_284 = arith.addf %mul3A_283, %exp3A_282 : vector<16xf32>
          %mul3A_285 = arith.mulf %while3A_220, %exp3A : vector<16xf32>
          %mul3A_286 = arith.mulf %get3A_231, %exp3A_282 : vector<16xf32>
          %add3A_287 = arith.addf %mul3A_285, %mul3A_286 : vector<16xf32>
          %mul3A_288 = arith.mulf %while3A_221, %exp3A : vector<16xf32>
          %mul3A_289 = arith.mulf %get3A_235, %exp3A_282 : vector<16xf32>
          %add3A_290 = arith.addf %mul3A_288, %mul3A_289 : vector<16xf32>
          %mul3A_291 = arith.mulf %while3A_222, %exp3A : vector<16xf32>
          %mul3A_292 = arith.mulf %get3A_239, %exp3A_282 : vector<16xf32>
          %add3A_293 = arith.addf %mul3A_291, %mul3A_292 : vector<16xf32>
          %mul3A_294 = arith.mulf %while3A_223, %exp3A : vector<16xf32>
          %mul3A_295 = arith.mulf %get3A_243, %exp3A_282 : vector<16xf32>
          %add3A_296 = arith.addf %mul3A_294, %mul3A_295 : vector<16xf32>
          %mul3A_297 = arith.mulf %while3A_224, %exp3A : vector<16xf32>
          %mul3A_298 = arith.mulf %get3A_247, %exp3A_282 : vector<16xf32>
          %add3A_299 = arith.addf %mul3A_297, %mul3A_298 : vector<16xf32>
          %mul3A_300 = arith.mulf %while3A_225, %exp3A : vector<16xf32>
          %mul3A_301 = arith.mulf %get3A_251, %exp3A_282 : vector<16xf32>
          %add3A_302 = arith.addf %mul3A_300, %mul3A_301 : vector<16xf32>
          %mul3A_303 = arith.mulf %while3A_226, %exp3A : vector<16xf32>
          %mul3A_304 = arith.mulf %get3A_255, %exp3A_282 : vector<16xf32>
          %add3A_305 = arith.addf %mul3A_303, %mul3A_304 : vector<16xf32>
          %mul3A_306 = arith.mulf %while3A_227, %exp3A : vector<16xf32>
          %mul3A_307 = arith.mulf %get3A_259, %exp3A_282 : vector<16xf32>
          %add3A_308 = arith.addf %mul3A_306, %mul3A_307 : vector<16xf32>
          scf.yield %max3A_279, %add3A_284, %add3A_287, %add3A_290, %add3A_293, %add3A_296, %add3A_299, %add3A_302, %add3A_305, %add3A_308 : vector<16xf32>, vector<16xf32>, vector<16xf32>, vector<16xf32>, vector<16xf32>, vector<16xf32>, vector<16xf32>, vector<16xf32>, vector<16xf32>, vector<16xf32>
        }
        %add3A_213 = arith.addi %multiple_of3A_61, %sub3A_99 : i32
        %le3A = arith.cmpi sle, %squeeze3A_162, %add3A_213 : i32
        %convert_element_type3A_214 = arith.extui %le3A : i1 to i32
        %cond3A_215 = arith.constant 0 : i32
        %cond3A_216 = arith.cmpi ne, %convert_element_type3A_214, %cond3A_215 : i32
        scf.if %cond3A_216 {
          %add3A_217 = arith.constant 9.99999996E-13 : f32
          %add3A_218 = vector.broadcast %add3A_217 : f32 to vector<16xf32>
          %add3A_219 = arith.addf %while3A_212#1, %add3A_218 : vector<16xf32>
          %div3A_220 = arith.constant 1.000000e+00 : f32
          %div3A_221 = vector.broadcast %div3A_220 : f32 to vector<16xf32>
          %div3A_222 = arith.divf %div3A_221, %add3A_219 : vector<16xf32>
          %mul3A_223 = arith.mulf %while3A_212#2, %div3A_222 : vector<16xf32>
          %mul3A_224 = arith.constant 128 : i32
          %mul3A_225 = arith.muli %sub3A_174, %mul3A_224 : i32
          %add3A_226 = arith.constant 0 : i32
          %add3A_227 = arith.addi %mul3A_225, %add3A_226 : i32
          %swap3A = arith.index_cast %add3A_227 : i32 to index
          %swap3A_228 = tpu.vector_load %arg12[%swap3A] {strides = array<i32>} : memref<40064xf32, #tpu.memory_space<vmem>>, vector<16xf32>,
          tpu.vector_store %arg12[%swap3A], %mul3A_223 {strides = array<i32>} : memref<40064xf32, #tpu.memory_space<vmem>>, vector<16xf32>,
          %mul3A_229 = arith.mulf %while3A_212#3, %div3A_222 : vector<16xf32>
          %mul3A_230 = arith.constant 128 : i32
          %mul3A_231 = arith.muli %sub3A_174, %mul3A_230 : i32
          %add3A_232 = arith.constant 16 : i32
          %add3A_233 = arith.addi %mul3A_231, %add3A_232 : i32
          %swap3A_234 = arith.index_cast %add3A_233 : i32 to index
          %swap3A_235 = tpu.vector_load %arg12[%swap3A_234] {strides = array<i32>} : memref<40064xf32, #tpu.memory_space<vmem>>, vector<16xf32>,
          tpu.vector_store %arg12[%swap3A_234], %mul3A_229 {strides = array<i32>} : memref<40064xf32, #tpu.memory_space<vmem>>, vector<16xf32>,
          %mul3A_236 = arith.mulf %while3A_212#4, %div3A_222 : vector<16xf32>
          %mul3A_237 = arith.constant 128 : i32
          %mul3A_238 = arith.muli %sub3A_174, %mul3A_237 : i32
          %add3A_239 = arith.constant 32 : i32
          %add3A_240 = arith.addi %mul3A_238, %add3A_239 : i32
          %swap3A_241 = arith.index_cast %add3A_240 : i32 to index
          %swap3A_242 = tpu.vector_load %arg12[%swap3A_241] {strides = array<i32>} : memref<40064xf32, #tpu.memory_space<vmem>>, vector<16xf32>,
          tpu.vector_store %arg12[%swap3A_241], %mul3A_236 {strides = array<i32>} : memref<40064xf32, #tpu.memory_space<vmem>>, vector<16xf32>,
          %mul3A_243 = arith.mulf %while3A_212#5, %div3A_222 : vector<16xf32>
          %mul3A_244 = arith.constant 128 : i32
          %mul3A_245 = arith.muli %sub3A_174, %mul3A_244 : i32
          %add3A_246 = arith.constant 48 : i32
          %add3A_247 = arith.addi %mul3A_245, %add3A_246 : i32
          %swap3A_248 = arith.index_cast %add3A_247 : i32 to index
          %swap3A_249 = tpu.vector_load %arg12[%swap3A_248] {strides = array<i32>} : memref<40064xf32, #tpu.memory_space<vmem>>, vector<16xf32>,
          tpu.vector_store %arg12[%swap3A_248], %mul3A_243 {strides = array<i32>} : memref<40064xf32, #tpu.memory_space<vmem>>, vector<16xf32>,
          %mul3A_250 = arith.mulf %while3A_212#6, %div3A_222 : vector<16xf32>
          %mul3A_251 = arith.constant 128 : i32
          %mul3A_252 = arith.muli %sub3A_174, %mul3A_251 : i32
          %add3A_253 = arith.constant 64 : i32
          %add3A_254 = arith.addi %mul3A_252, %add3A_253 : i32
          %swap3A_255 = arith.index_cast %add3A_254 : i32 to index
          %swap3A_256 = tpu.vector_load %arg12[%swap3A_255] {strides = array<i32>} : memref<40064xf32, #tpu.memory_space<vmem>>, vector<16xf32>,
          tpu.vector_store %arg12[%swap3A_255], %mul3A_250 {strides = array<i32>} : memref<40064xf32, #tpu.memory_space<vmem>>, vector<16xf32>,
          %mul3A_257 = arith.mulf %while3A_212#7, %div3A_222 : vector<16xf32>
          %mul3A_258 = arith.constant 128 : i32
          %mul3A_259 = arith.muli %sub3A_174, %mul3A_258 : i32
          %add3A_260 = arith.constant 80 : i32
          %add3A_261 = arith.addi %mul3A_259, %add3A_260 : i32
          %swap3A_262 = arith.index_cast %add3A_261 : i32 to index
          %swap3A_263 = tpu.vector_load %arg12[%swap3A_262] {strides = array<i32>} : memref<40064xf32, #tpu.memory_space<vmem>>, vector<16xf32>,
          tpu.vector_store %arg12[%swap3A_262], %mul3A_257 {strides = array<i32>} : memref<40064xf32, #tpu.memory_space<vmem>>, vector<16xf32>,
          %mul3A_264 = arith.mulf %while3A_212#8, %div3A_222 : vector<16xf32>
          %mul3A_265 = arith.constant 128 : i32
          %mul3A_266 = arith.muli %sub3A_174, %mul3A_265 : i32
          %add3A_267 = arith.constant 96 : i32
          %add3A_268 = arith.addi %mul3A_266, %add3A_267 : i32
          %swap3A_269 = arith.index_cast %add3A_268 : i32 to index
          %swap3A_270 = tpu.vector_load %arg12[%swap3A_269] {strides = array<i32>} : memref<40064xf32, #tpu.memory_space<vmem>>, vector<16xf32>,
          tpu.vector_store %arg12[%swap3A_269], %mul3A_264 {strides = array<i32>} : memref<40064xf32, #tpu.memory_space<vmem>>, vector<16xf32>,
          %mul3A_271 = arith.mulf %while3A_212#9, %div3A_222 : vector<16xf32>
          %mul3A_272 = arith.constant 128 : i32
          %mul3A_273 = arith.muli %sub3A_174, %mul3A_272 : i32
          %add3A_274 = arith.constant 112 : i32
          %add3A_275 = arith.addi %mul3A_273, %add3A_274 : i32
          %swap3A_276 = arith.index_cast %add3A_275 : i32 to index
          %swap3A_277 = tpu.vector_load %arg12[%swap3A_276] {strides = array<i32>} : memref<40064xf32, #tpu.memory_space<vmem>>, vector<16xf32>,
          tpu.vector_store %arg12[%swap3A_276], %mul3A_271 {strides = array<i32>} : memref<40064xf32, #tpu.memory_space<vmem>>, vector<16xf32>,
        } else {
        }
        scf.yield %while3A_212#0, %while3A_212#1, %while3A_212#2, %while3A_212#3, %while3A_212#4, %while3A_212#5, %while3A_212#6, %while3A_212#7, %while3A_212#8, %while3A_212#9 : vector<16xf32>, vector<16xf32>, vector<16xf32>, vector<16xf32>, vector<16xf32>, vector<16xf32>, vector<16xf32>, vector<16xf32>, vector<16xf32>, vector<16xf32>
      }
      %while3A_143 = arith.constant 1 : i32
      %while3A_144:10 = scf.for %while3A_145 = %while3A_140 to %while3A_136 step %while3A_143 iter_args(%while3A_146 = %while3A_142#0, %while3A_147 = %while3A_142#1, %while3A_148 = %while3A_142#2, %while3A_149 = %while3A_142#3, %while3A_150 = %while3A_142#4, %while3A_151 = %while3A_142#5, %while3A_152 = %while3A_142#6, %while3A_153 = %while3A_142#7, %while3A_154 = %while3A_142#8, %while3A_155 = %while3A_142#9) -> (vector<16xf32>, vector<16xf32>, vector<16xf32>, vector<16xf32>, vector<16xf32>, vector<16xf32>, vector<16xf32>, vector<16xf32>, vector<16xf32>, vector<16xf32>)  : i32 {
        %sub3A_156 = arith.subi %while3A_145, %multiple_of3A : i32
        %get3A_157 = arith.index_cast %sub3A_156 : i32 to index
        %get3A_158 = tpu.vector_load %arg7[%get3A_157] {strides = array<i32>} : memref<352xi32, #tpu.memory_space<vmem>>, vector<16xi32>,
        %slice3A_159 = vector.extract_strided_slice %get3A_158 {offsets = [0], sizes = [1], strides = [1]} : vector<16xi32> to vector<1xi32>
        %squeeze3A_160 = vector.extract %slice3A_159[0] : i32 from vector<1xi32>
        %slice3A_161 = vector.extract_strided_slice %get3A_158 {offsets = [1], sizes = [1], strides = [1]} : vector<16xi32> to vector<1xi32>
        %squeeze3A_162 = vector.extract %slice3A_161[0] : i32 from vector<1xi32>
        %add3A_163 = arith.addi %multiple_of3A_61, %sub3A_92 : i32
        %ge3A = arith.cmpi sge, %squeeze3A_160, %add3A_163 : i32
        %select_n3A_164 = arith.select %ge3A, %broadcast_in_dim3A_6, %while3A_146 : vector<16xf32>
        %select_n3A_165 = arith.select %ge3A, %broadcast_in_dim3A_4, %while3A_147 : vector<16xf32>
        %select_n3A_166 = arith.select %ge3A, %broadcast_in_dim3A_4, %while3A_148 : vector<16xf32>
        %select_n3A_167 = arith.select %ge3A, %broadcast_in_dim3A_4, %while3A_149 : vector<16xf32>
        %select_n3A_168 = arith.select %ge3A, %broadcast_in_dim3A_4, %while3A_150 : vector<16xf32>
        %select_n3A_169 = arith.select %ge3A, %broadcast_in_dim3A_4, %while3A_151 : vector<16xf32>
        %select_n3A_170 = arith.select %ge3A, %broadcast_in_dim3A_4, %while3A_152 : vector<16xf32>
        %select_n3A_171 = arith.select %ge3A, %broadcast_in_dim3A_4, %while3A_153 : vector<16xf32>
        %select_n3A_172 = arith.select %ge3A, %broadcast_in_dim3A_4, %while3A_154 : vector<16xf32>
        %select_n3A_173 = arith.select %ge3A, %broadcast_in_dim3A_4, %while3A_155 : vector<16xf32>
        %sub3A_174 = arith.subi %while3A_145, %mul3A_2 : i32
        %get3A_175 = arith.index_cast %sub3A_174 : i32 to index
        %get3A_176 = arith.constant 0 : index
        %get3A_177 = tpu.vector_load %arg11[%get3A_175, %get3A_176] {strides = array<i32>} : memref<320x128xf32, #tpu.memory_space<vmem>>, vector<16xf32>,
        %get3A_178 = arith.index_cast %sub3A_174 : i32 to index
        %get3A_179 = arith.constant 16 : index
        %get3A_180 = tpu.vector_load %arg11[%get3A_178, %get3A_179] {strides = array<i32>} : memref<320x128xf32, #tpu.memory_space<vmem>>, vector<16xf32>,
        %get3A_181 = arith.index_cast %sub3A_174 : i32 to index
        %get3A_182 = arith.constant 32 : index
        %get3A_183 = tpu.vector_load %arg11[%get3A_181, %get3A_182] {strides = array<i32>} : memref<320x128xf32, #tpu.memory_space<vmem>>, vector<16xf32>,
        %get3A_184 = arith.index_cast %sub3A_174 : i32 to index
        %get3A_185 = arith.constant 48 : index
        %get3A_186 = tpu.vector_load %arg11[%get3A_184, %get3A_185] {strides = array<i32>} : memref<320x128xf32, #tpu.memory_space<vmem>>, vector<16xf32>,
        %get3A_187 = arith.index_cast %sub3A_174 : i32 to index
        %get3A_188 = arith.constant 64 : index
        %get3A_189 = tpu.vector_load %arg11[%get3A_187, %get3A_188] {strides = array<i32>} : memref<320x128xf32, #tpu.memory_space<vmem>>, vector<16xf32>,
        %get3A_190 = arith.index_cast %sub3A_174 : i32 to index
        %get3A_191 = arith.constant 80 : index
        %get3A_192 = tpu.vector_load %arg11[%get3A_190, %get3A_191] {strides = array<i32>} : memref<320x128xf32, #tpu.memory_space<vmem>>, vector<16xf32>,
        %get3A_193 = arith.index_cast %sub3A_174 : i32 to index
        %get3A_194 = arith.constant 96 : index
        %get3A_195 = tpu.vector_load %arg11[%get3A_193, %get3A_194] {strides = array<i32>} : memref<320x128xf32, #tpu.memory_space<vmem>>, vector<16xf32>,
        %get3A_196 = arith.index_cast %sub3A_174 : i32 to index
        %get3A_197 = arith.constant 112 : index
        %get3A_198 = tpu.vector_load %arg11[%get3A_196, %get3A_197] {strides = array<i32>} : memref<320x128xf32, #tpu.memory_space<vmem>>, vector<16xf32>,
        %sub3A_199 = arith.subi %squeeze3A_160, %multiple_of3A_61 : i32
        %max3A_200 = arith.maxsi %sub3A_92, %sub3A_199 : i32
        %sub3A_201 = arith.subi %squeeze3A_162, %multiple_of3A_61 : i32
        %min3A_202 = arith.minsi %sub3A_99, %sub3A_201 : i32
        %while3A_203 = arith.subi %min3A_202, %max3A_200 : i32
        %while3A_204 = arith.addi %max3A_200, %while3A_203 : i32
        %while3A_205 = arith.constant 1 : i32
        %while3A_206 = arith.divsi %while3A_203, %while3A_205 : i32
        %while3A_207 = arith.muli %while3A_206, %while3A_205 : i32
        %while3A_208 = arith.addi %max3A_200, %while3A_207 : i32
        %while3A_209 = arith.constant 1 : i32
        %while3A_210:10 = scf.for %while3A_217 = %max3A_200 to %while3A_208 step %while3A_209 iter_args(%while3A_218 = %select_n3A_164, %while3A_219 = %select_n3A_165, %while3A_220 = %select_n3A_166, %while3A_221 = %select_n3A_167, %while3A_222 = %select_n3A_168, %while3A_223 = %select_n3A_169, %while3A_224 = %select_n3A_170, %while3A_225 = %select_n3A_171, %while3A_226 = %select_n3A_172, %while3A_227 = %select_n3A_173) -> (vector<16xf32>, vector<16xf32>, vector<16xf32>, vector<16xf32>, vector<16xf32>, vector<16xf32>, vector<16xf32>, vector<16xf32>, vector<16xf32>, vector<16xf32>)  : i32 {
          %get3A_228 = arith.index_cast %rem3A_56 : i32 to index
          %get3A_229 = arith.index_cast %while3A_217 : i32 to index
          %get3A_230 = arith.constant 0 : index
          %get3A_231 = tpu.vector_load %arg8[%get3A_228, %get3A_229, %get3A_230] {strides = array<i32>} : memref<2x160x128xf32, #tpu.memory_space<vmem>>, vector<16xf32>,
          %get3A_232 = arith.index_cast %rem3A_56 : i32 to index
          %get3A_233 = arith.index_cast %while3A_217 : i32 to index
          %get3A_234 = arith.constant 16 : index
          %get3A_235 = tpu.vector_load %arg8[%get3A_232, %get3A_233, %get3A_234] {strides = array<i32>} : memref<2x160x128xf32, #tpu.memory_space<vmem>>, vector<16xf32>,
          %get3A_236 = arith.index_cast %rem3A_56 : i32 to index
          %get3A_237 = arith.index_cast %while3A_217 : i32 to index
          %get3A_238 = arith.constant 32 : index
          %get3A_239 = tpu.vector_load %arg8[%get3A_236, %get3A_237, %get3A_238] {strides = array<i32>} : memref<2x160x128xf32, #tpu.memory_space<vmem>>, vector<16xf32>,
          %get3A_240 = arith.index_cast %rem3A_56 : i32 to index
          %get3A_241 = arith.index_cast %while3A_217 : i32 to index
          %get3A_242 = arith.constant 48 : index
          %get3A_243 = tpu.vector_load %arg8[%get3A_240, %get3A_241, %get3A_242] {strides = array<i32>} : memref<2x160x128xf32, #tpu.memory_space<vmem>>, vector<16xf32>,
          %get3A_244 = arith.index_cast %rem3A_56 : i32 to index
          %get3A_245 = arith.index_cast %while3A_217 : i32 to index
          %get3A_246 = arith.constant 64 : index
          %get3A_247 = tpu.vector_load %arg8[%get3A_244, %get3A_245, %get3A_246] {strides = array<i32>} : memref<2x160x128xf32, #tpu.memory_space<vmem>>, vector<16xf32>,
          %get3A_248 = arith.index_cast %rem3A_56 : i32 to index
          %get3A_249 = arith.index_cast %while3A_217 : i32 to index
          %get3A_250 = arith.constant 80 : index
          %get3A_251 = tpu.vector_load %arg8[%get3A_248, %get3A_249, %get3A_250] {strides = array<i32>} : memref<2x160x128xf32, #tpu.memory_space<vmem>>, vector<16xf32>,
          %get3A_252 = arith.index_cast %rem3A_56 : i32 to index
          %get3A_253 = arith.index_cast %while3A_217 : i32 to index
          %get3A_254 = arith.constant 96 : index
          %get3A_255 = tpu.vector_load %arg8[%get3A_252, %get3A_253, %get3A_254] {strides = array<i32>} : memref<2x160x128xf32, #tpu.memory_space<vmem>>, vector<16xf32>,
          %get3A_256 = arith.index_cast %rem3A_56 : i32 to index
          %get3A_257 = arith.index_cast %while3A_217 : i32 to index
          %get3A_258 = arith.constant 112 : index
          %get3A_259 = tpu.vector_load %arg8[%get3A_256, %get3A_257, %get3A_258] {strides = array<i32>} : memref<2x160x128xf32, #tpu.memory_space<vmem>>, vector<16xf32>,
          %mul3A_260 = arith.mulf %get3A_231, %get3A_177 : vector<16xf32>
          %mul3A_261 = arith.mulf %get3A_235, %get3A_180 : vector<16xf32>
          %add3A_262 = arith.addf %mul3A_260, %mul3A_261 : vector<16xf32>
          %mul3A_263 = arith.mulf %get3A_239, %get3A_183 : vector<16xf32>
          %mul3A_264 = arith.mulf %get3A_243, %get3A_186 : vector<16xf32>
          %add3A_265 = arith.addf %mul3A_263, %mul3A_264 : vector<16xf32>
          %mul3A_266 = arith.mulf %get3A_247, %get3A_189 : vector<16xf32>
          %mul3A_267 = arith.mulf %get3A_251, %get3A_192 : vector<16xf32>
          %add3A_268 = arith.addf %mul3A_266, %mul3A_267 : vector<16xf32>
          %mul3A_269 = arith.mulf %get3A_255, %get3A_195 : vector<16xf32>
          %mul3A_270 = arith.mulf %get3A_259, %get3A_198 : vector<16xf32>
          %add3A_271 = arith.addf %mul3A_269, %mul3A_270 : vector<16xf32>
          %add3A_272 = arith.addf %add3A_262, %add3A_265 : vector<16xf32>
          %add3A_273 = arith.addf %add3A_268, %add3A_271 : vector<16xf32>
          %add3A_274 = arith.addf %add3A_272, %add3A_273 : vector<16xf32>
          %reduce_sum3A = arith.constant true
          %reduce_sum3A_275 = vector.broadcast %reduce_sum3A : i1 to vector<16xi1>
          %reduce_sum3A_276 = tpu.scan <sum>, %add3A_274 masked %reduce_sum3A_275 : vector<16xf32>, vector<16xi1> -> vector<16xf32>
          %reduce_sum3A_277 = vector.extract %reduce_sum3A_276[15] : f32 from vector<16xf32>
          %broadcast_in_dim3A_278 = vector.broadcast %reduce_sum3A_277 : f32 to vector<16xf32>
          %max3A_279 = arith.maximumf %while3A_218, %broadcast_in_dim3A_278 : vector<16xf32>
          %sub3A_280 = arith.subf %while3A_218, %max3A_279 : vector<16xf32>
          %exp3A = math.exp %sub3A_280 : vector<16xf32>
          %sub3A_281 = arith.subf %broadcast_in_dim3A_278, %max3A_279 : vector<16xf32>
          %exp3A_282 = math.exp %sub3A_281 : vector<16xf32>
          %mul3A_283 = arith.mulf %while3A_219, %exp3A : vector<16xf32>
          %add3A_284 = arith.addf %mul3A_283, %exp3A_282 : vector<16xf32>
          %mul3A_285 = arith.mulf %while3A_220, %exp3A : vector<16xf32>
          %mul3A_286 = arith.mulf %get3A_231, %exp3A_282 : vector<16xf32>
          %add3A_287 = arith.addf %mul3A_285, %mul3A_286 : vector<16xf32>
          %mul3A_288 = arith.mulf %while3A_221, %exp3A : vector<16xf32>
          %mul3A_289 = arith.mulf %get3A_235, %exp3A_282 : vector<16xf32>
          %add3A_290 = arith.addf %mul3A_288, %mul3A_289 : vector<16xf32>
          %mul3A_291 = arith.mulf %while3A_222, %exp3A : vector<16xf32>
          %mul3A_292 = arith.mulf %get3A_239, %exp3A_282 : vector<16xf32>
          %add3A_293 = arith.addf %mul3A_291, %mul3A_292 : vector<16xf32>
          %mul3A_294 = arith.mulf %while3A_223, %exp3A : vector<16xf32>
          %mul3A_295 = arith.mulf %get3A_243, %exp3A_282 : vector<16xf32>
          %add3A_296 = arith.addf %mul3A_294, %mul3A_295 : vector<16xf32>
          %mul3A_297 = arith.mulf %while3A_224, %exp3A : vector<16xf32>
          %mul3A_298 = arith.mulf %get3A_247, %exp3A_282 : vector<16xf32>
          %add3A_299 = arith.addf %mul3A_297, %mul3A_298 : vector<16xf32>
          %mul3A_300 = arith.mulf %while3A_225, %exp3A : vector<16xf32>
          %mul3A_301 = arith.mulf %get3A_251, %exp3A_282 : vector<16xf32>
          %add3A_302 = arith.addf %mul3A_300, %mul3A_301 : vector<16xf32>
          %mul3A_303 = arith.mulf %while3A_226, %exp3A : vector<16xf32>
          %mul3A_304 = arith.mulf %get3A_255, %exp3A_282 : vector<16xf32>
          %add3A_305 = arith.addf %mul3A_303, %mul3A_304 : vector<16xf32>
          %mul3A_306 = arith.mulf %while3A_227, %exp3A : vector<16xf32>
          %mul3A_307 = arith.mulf %get3A_259, %exp3A_282 : vector<16xf32>
          %add3A_308 = arith.addf %mul3A_306, %mul3A_307 : vector<16xf32>
          scf.yield %max3A_279, %add3A_284, %add3A_287, %add3A_290, %add3A_293, %add3A_296, %add3A_299, %add3A_302, %add3A_305, %add3A_308 : vector<16xf32>, vector<16xf32>, vector<16xf32>, vector<16xf32>, vector<16xf32>, vector<16xf32>, vector<16xf32>, vector<16xf32>, vector<16xf32>, vector<16xf32>
        }
        %while3A_211 = arith.constant 1 : i32
        %while3A_212:10 = scf.for %while3A_217 = %while3A_208 to %while3A_204 step %while3A_211 iter_args(%while3A_218 = %while3A_210#0, %while3A_219 = %while3A_210#1, %while3A_220 = %while3A_210#2, %while3A_221 = %while3A_210#3, %while3A_222 = %while3A_210#4, %while3A_223 = %while3A_210#5, %while3A_224 = %while3A_210#6, %while3A_225 = %while3A_210#7, %while3A_226 = %while3A_210#8, %while3A_227 = %while3A_210#9) -> (vector<16xf32>, vector<16xf32>, vector<16xf32>, vector<16xf32>, vector<16xf32>, vector<16xf32>, vector<16xf32>, vector<16xf32>, vector<16xf32>, vector<16xf32>)  : i32 {
          %get3A_228 = arith.index_cast %rem3A_56 : i32 to index
          %get3A_229 = arith.index_cast %while3A_217 : i32 to index
          %get3A_230 = arith.constant 0 : index
          %get3A_231 = tpu.vector_load %arg8[%get3A_228, %get3A_229, %get3A_230] {strides = array<i32>} : memref<2x160x128xf32, #tpu.memory_space<vmem>>, vector<16xf32>,
          %get3A_232 = arith.index_cast %rem3A_56 : i32 to index
          %get3A_233 = arith.index_cast %while3A_217 : i32 to index
          %get3A_234 = arith.constant 16 : index
          %get3A_235 = tpu.vector_load %arg8[%get3A_232, %get3A_233, %get3A_234] {strides = array<i32>} : memref<2x160x128xf32, #tpu.memory_space<vmem>>, vector<16xf32>,
          %get3A_236 = arith.index_cast %rem3A_56 : i32 to index
          %get3A_237 = arith.index_cast %while3A_217 : i32 to index
          %get3A_238 = arith.constant 32 : index
          %get3A_239 = tpu.vector_load %arg8[%get3A_236, %get3A_237, %get3A_238] {strides = array<i32>} : memref<2x160x128xf32, #tpu.memory_space<vmem>>, vector<16xf32>,
          %get3A_240 = arith.index_cast %rem3A_56 : i32 to index
          %get3A_241 = arith.index_cast %while3A_217 : i32 to index
          %get3A_242 = arith.constant 48 : index
          %get3A_243 = tpu.vector_load %arg8[%get3A_240, %get3A_241, %get3A_242] {strides = array<i32>} : memref<2x160x128xf32, #tpu.memory_space<vmem>>, vector<16xf32>,
          %get3A_244 = arith.index_cast %rem3A_56 : i32 to index
          %get3A_245 = arith.index_cast %while3A_217 : i32 to index
          %get3A_246 = arith.constant 64 : index
          %get3A_247 = tpu.vector_load %arg8[%get3A_244, %get3A_245, %get3A_246] {strides = array<i32>} : memref<2x160x128xf32, #tpu.memory_space<vmem>>, vector<16xf32>,
          %get3A_248 = arith.index_cast %rem3A_56 : i32 to index
          %get3A_249 = arith.index_cast %while3A_217 : i32 to index
          %get3A_250 = arith.constant 80 : index
          %get3A_251 = tpu.vector_load %arg8[%get3A_248, %get3A_249, %get3A_250] {strides = array<i32>} : memref<2x160x128xf32, #tpu.memory_space<vmem>>, vector<16xf32>,
          %get3A_252 = arith.index_cast %rem3A_56 : i32 to index
          %get3A_253 = arith.index_cast %while3A_217 : i32 to index
          %get3A_254 = arith.constant 96 : index
          %get3A_255 = tpu.vector_load %arg8[%get3A_252, %get3A_253, %get3A_254] {strides = array<i32>} : memref<2x160x128xf32, #tpu.memory_space<vmem>>, vector<16xf32>,
          %get3A_256 = arith.index_cast %rem3A_56 : i32 to index
          %get3A_257 = arith.index_cast %while3A_217 : i32 to index
          %get3A_258 = arith.constant 112 : index
          %get3A_259 = tpu.vector_load %arg8[%get3A_256, %get3A_257, %get3A_258] {strides = array<i32>} : memref<2x160x128xf32, #tpu.memory_space<vmem>>, vector<16xf32>,
          %mul3A_260 = arith.mulf %get3A_231, %get3A_177 : vector<16xf32>
          %mul3A_261 = arith.mulf %get3A_235, %get3A_180 : vector<16xf32>
          %add3A_262 = arith.addf %mul3A_260, %mul3A_261 : vector<16xf32>
          %mul3A_263 = arith.mulf %get3A_239, %get3A_183 : vector<16xf32>
          %mul3A_264 = arith.mulf %get3A_243, %get3A_186 : vector<16xf32>
          %add3A_265 = arith.addf %mul3A_263, %mul3A_264 : vector<16xf32>
          %mul3A_266 = arith.mulf %get3A_247, %get3A_189 : vector<16xf32>
          %mul3A_267 = arith.mulf %get3A_251, %get3A_192 : vector<16xf32>
          %add3A_268 = arith.addf %mul3A_266, %mul3A_267 : vector<16xf32>
          %mul3A_269 = arith.mulf %get3A_255, %get3A_195 : vector<16xf32>
          %mul3A_270 = arith.mulf %get3A_259, %get3A_198 : vector<16xf32>
          %add3A_271 = arith.addf %mul3A_269, %mul3A_270 : vector<16xf32>
          %add3A_272 = arith.addf %add3A_262, %add3A_265 : vector<16xf32>
          %add3A_273 = arith.addf %add3A_268, %add3A_271 : vector<16xf32>
          %add3A_274 = arith.addf %add3A_272, %add3A_273 : vector<16xf32>
          %reduce_sum3A = arith.constant true
          %reduce_sum3A_275 = vector.broadcast %reduce_sum3A : i1 to vector<16xi1>
          %reduce_sum3A_276 = tpu.scan <sum>, %add3A_274 masked %reduce_sum3A_275 : vector<16xf32>, vector<16xi1> -> vector<16xf32>
          %reduce_sum3A_277 = vector.extract %reduce_sum3A_276[15] : f32 from vector<16xf32>
          %broadcast_in_dim3A_278 = vector.broadcast %reduce_sum3A_277 : f32 to vector<16xf32>
          %max3A_279 = arith.maximumf %while3A_218, %broadcast_in_dim3A_278 : vector<16xf32>
          %sub3A_280 = arith.subf %while3A_218, %max3A_279 : vector<16xf32>
          %exp3A = math.exp %sub3A_280 : vector<16xf32>
          %sub3A_281 = arith.subf %broadcast_in_dim3A_278, %max3A_279 : vector<16xf32>
          %exp3A_282 = math.exp %sub3A_281 : vector<16xf32>
          %mul3A_283 = arith.mulf %while3A_219, %exp3A : vector<16xf32>
          %add3A_284 = arith.addf %mul3A_283, %exp3A_282 : vector<16xf32>
          %mul3A_285 = arith.mulf %while3A_220, %exp3A : vector<16xf32>
          %mul3A_286 = arith.mulf %get3A_231, %exp3A_282 : vector<16xf32>
          %add3A_287 = arith.addf %mul3A_285, %mul3A_286 : vector<16xf32>
          %mul3A_288 = arith.mulf %while3A_221, %exp3A : vector<16xf32>
          %mul3A_289 = arith.mulf %get3A_235, %exp3A_282 : vector<16xf32>
          %add3A_290 = arith.addf %mul3A_288, %mul3A_289 : vector<16xf32>
          %mul3A_291 = arith.mulf %while3A_222, %exp3A : vector<16xf32>
          %mul3A_292 = arith.mulf %get3A_239, %exp3A_282 : vector<16xf32>
          %add3A_293 = arith.addf %mul3A_291, %mul3A_292 : vector<16xf32>
          %mul3A_294 = arith.mulf %while3A_223, %exp3A : vector<16xf32>
          %mul3A_295 = arith.mulf %get3A_243, %exp3A_282 : vector<16xf32>
          %add3A_296 = arith.addf %mul3A_294, %mul3A_295 : vector<16xf32>
          %mul3A_297 = arith.mulf %while3A_224, %exp3A : vector<16xf32>
          %mul3A_298 = arith.mulf %get3A_247, %exp3A_282 : vector<16xf32>
          %add3A_299 = arith.addf %mul3A_297, %mul3A_298 : vector<16xf32>
          %mul3A_300 = arith.mulf %while3A_225, %exp3A : vector<16xf32>
          %mul3A_301 = arith.mulf %get3A_251, %exp3A_282 : vector<16xf32>
          %add3A_302 = arith.addf %mul3A_300, %mul3A_301 : vector<16xf32>
          %mul3A_303 = arith.mulf %while3A_226, %exp3A : vector<16xf32>
          %mul3A_304 = arith.mulf %get3A_255, %exp3A_282 : vector<16xf32>
          %add3A_305 = arith.addf %mul3A_303, %mul3A_304 : vector<16xf32>
          %mul3A_306 = arith.mulf %while3A_227, %exp3A : vector<16xf32>
          %mul3A_307 = arith.mulf %get3A_259, %exp3A_282 : vector<16xf32>
          %add3A_308 = arith.addf %mul3A_306, %mul3A_307 : vector<16xf32>
          scf.yield %max3A_279, %add3A_284, %add3A_287, %add3A_290, %add3A_293, %add3A_296, %add3A_299, %add3A_302, %add3A_305, %add3A_308 : vector<16xf32>, vector<16xf32>, vector<16xf32>, vector<16xf32>, vector<16xf32>, vector<16xf32>, vector<16xf32>, vector<16xf32>, vector<16xf32>, vector<16xf32>
        }
        %add3A_213 = arith.addi %multiple_of3A_61, %sub3A_99 : i32
        %le3A = arith.cmpi sle, %squeeze3A_162, %add3A_213 : i32
        %convert_element_type3A_214 = arith.extui %le3A : i1 to i32
        %cond3A_215 = arith.constant 0 : i32
        %cond3A_216 = arith.cmpi ne, %convert_element_type3A_214, %cond3A_215 : i32
        scf.if %cond3A_216 {
          %add3A_217 = arith.constant 9.99999996E-13 : f32
          %add3A_218 = vector.broadcast %add3A_217 : f32 to vector<16xf32>
          %add3A_219 = arith.addf %while3A_212#1, %add3A_218 : vector<16xf32>
          %div3A_220 = arith.constant 1.000000e+00 : f32
          %div3A_221 = vector.broadcast %div3A_220 : f32 to vector<16xf32>
          %div3A_222 = arith.divf %div3A_221, %add3A_219 : vector<16xf32>
          %mul3A_223 = arith.mulf %while3A_212#2, %div3A_222 : vector<16xf32>
          %mul3A_224 = arith.constant 128 : i32
          %mul3A_225 = arith.muli %sub3A_174, %mul3A_224 : i32
          %add3A_226 = arith.constant 0 : i32
          %add3A_227 = arith.addi %mul3A_225, %add3A_226 : i32
          %swap3A = arith.index_cast %add3A_227 : i32 to index
          %swap3A_228 = tpu.vector_load %arg12[%swap3A] {strides = array<i32>} : memref<40064xf32, #tpu.memory_space<vmem>>, vector<16xf32>,
          tpu.vector_store %arg12[%swap3A], %mul3A_223 {strides = array<i32>} : memref<40064xf32, #tpu.memory_space<vmem>>, vector<16xf32>,
          %mul3A_229 = arith.mulf %while3A_212#3, %div3A_222 : vector<16xf32>
          %mul3A_230 = arith.constant 128 : i32
          %mul3A_231 = arith.muli %sub3A_174, %mul3A_230 : i32
          %add3A_232 = arith.constant 16 : i32
          %add3A_233 = arith.addi %mul3A_231, %add3A_232 : i32
          %swap3A_234 = arith.index_cast %add3A_233 : i32 to index
          %swap3A_235 = tpu.vector_load %arg12[%swap3A_234] {strides = array<i32>} : memref<40064xf32, #tpu.memory_space<vmem>>, vector<16xf32>,
          tpu.vector_store %arg12[%swap3A_234], %mul3A_229 {strides = array<i32>} : memref<40064xf32, #tpu.memory_space<vmem>>, vector<16xf32>,
          %mul3A_236 = arith.mulf %while3A_212#4, %div3A_222 : vector<16xf32>
          %mul3A_237 = arith.constant 128 : i32
          %mul3A_238 = arith.muli %sub3A_174, %mul3A_237 : i32
          %add3A_239 = arith.constant 32 : i32
          %add3A_240 = arith.addi %mul3A_238, %add3A_239 : i32
          %swap3A_241 = arith.index_cast %add3A_240 : i32 to index
          %swap3A_242 = tpu.vector_load %arg12[%swap3A_241] {strides = array<i32>} : memref<40064xf32, #tpu.memory_space<vmem>>, vector<16xf32>,
          tpu.vector_store %arg12[%swap3A_241], %mul3A_236 {strides = array<i32>} : memref<40064xf32, #tpu.memory_space<vmem>>, vector<16xf32>,
          %mul3A_243 = arith.mulf %while3A_212#5, %div3A_222 : vector<16xf32>
          %mul3A_244 = arith.constant 128 : i32
          %mul3A_245 = arith.muli %sub3A_174, %mul3A_244 : i32
          %add3A_246 = arith.constant 48 : i32
          %add3A_247 = arith.addi %mul3A_245, %add3A_246 : i32
          %swap3A_248 = arith.index_cast %add3A_247 : i32 to index
          %swap3A_249 = tpu.vector_load %arg12[%swap3A_248] {strides = array<i32>} : memref<40064xf32, #tpu.memory_space<vmem>>, vector<16xf32>,
          tpu.vector_store %arg12[%swap3A_248], %mul3A_243 {strides = array<i32>} : memref<40064xf32, #tpu.memory_space<vmem>>, vector<16xf32>,
          %mul3A_250 = arith.mulf %while3A_212#6, %div3A_222 : vector<16xf32>
          %mul3A_251 = arith.constant 128 : i32
          %mul3A_252 = arith.muli %sub3A_174, %mul3A_251 : i32
          %add3A_253 = arith.constant 64 : i32
          %add3A_254 = arith.addi %mul3A_252, %add3A_253 : i32
          %swap3A_255 = arith.index_cast %add3A_254 : i32 to index
          %swap3A_256 = tpu.vector_load %arg12[%swap3A_255] {strides = array<i32>} : memref<40064xf32, #tpu.memory_space<vmem>>, vector<16xf32>,
          tpu.vector_store %arg12[%swap3A_255], %mul3A_250 {strides = array<i32>} : memref<40064xf32, #tpu.memory_space<vmem>>, vector<16xf32>,
          %mul3A_257 = arith.mulf %while3A_212#7, %div3A_222 : vector<16xf32>
          %mul3A_258 = arith.constant 128 : i32
          %mul3A_259 = arith.muli %sub3A_174, %mul3A_258 : i32
          %add3A_260 = arith.constant 80 : i32
          %add3A_261 = arith.addi %mul3A_259, %add3A_260 : i32
          %swap3A_262 = arith.index_cast %add3A_261 : i32 to index
          %swap3A_263 = tpu.vector_load %arg12[%swap3A_262] {strides = array<i32>} : memref<40064xf32, #tpu.memory_space<vmem>>, vector<16xf32>,
          tpu.vector_store %arg12[%swap3A_262], %mul3A_257 {strides = array<i32>} : memref<40064xf32, #tpu.memory_space<vmem>>, vector<16xf32>,
          %mul3A_264 = arith.mulf %while3A_212#8, %div3A_222 : vector<16xf32>
          %mul3A_265 = arith.constant 128 : i32
          %mul3A_266 = arith.muli %sub3A_174, %mul3A_265 : i32
          %add3A_267 = arith.constant 96 : i32
          %add3A_268 = arith.addi %mul3A_266, %add3A_267 : i32
          %swap3A_269 = arith.index_cast %add3A_268 : i32 to index
          %swap3A_270 = tpu.vector_load %arg12[%swap3A_269] {strides = array<i32>} : memref<40064xf32, #tpu.memory_space<vmem>>, vector<16xf32>,
          tpu.vector_store %arg12[%swap3A_269], %mul3A_264 {strides = array<i32>} : memref<40064xf32, #tpu.memory_space<vmem>>, vector<16xf32>,
          %mul3A_271 = arith.mulf %while3A_212#9, %div3A_222 : vector<16xf32>
          %mul3A_272 = arith.constant 128 : i32
          %mul3A_273 = arith.muli %sub3A_174, %mul3A_272 : i32
          %add3A_274 = arith.constant 112 : i32
          %add3A_275 = arith.addi %mul3A_273, %add3A_274 : i32
          %swap3A_276 = arith.index_cast %add3A_275 : i32 to index
          %swap3A_277 = tpu.vector_load %arg12[%swap3A_276] {strides = array<i32>} : memref<40064xf32, #tpu.memory_space<vmem>>, vector<16xf32>,
          tpu.vector_store %arg12[%swap3A_276], %mul3A_271 {strides = array<i32>} : memref<40064xf32, #tpu.memory_space<vmem>>, vector<16xf32>,
        } else {
        }
        scf.yield %while3A_212#0, %while3A_212#1, %while3A_212#2, %while3A_212#3, %while3A_212#4, %while3A_212#5, %while3A_212#6, %while3A_212#7, %while3A_212#8, %while3A_212#9 : vector<16xf32>, vector<16xf32>, vector<16xf32>, vector<16xf32>, vector<16xf32>, vector<16xf32>, vector<16xf32>, vector<16xf32>, vector<16xf32>, vector<16xf32>
      }
      scf.yield %while3A_144#0, %while3A_144#1, %while3A_144#2, %while3A_144#3, %while3A_144#4, %while3A_144#5, %while3A_144#6, %while3A_144#7, %while3A_144#8, %while3A_144#9 : vector<16xf32>, vector<16xf32>, vector<16xf32>, vector<16xf32>, vector<16xf32>, vector<16xf32>, vector<16xf32>, vector<16xf32>, vector<16xf32>, vector<16xf32>
    }
    %while3A_39 = arith.constant 1 : i32
    %while3A_40:10 = scf.for %while3A_44 = %while3A_36 to %while3A_32 step %while3A_39 iter_args(%while3A_45 = %while3A_38#0, %while3A_46 = %while3A_38#1, %while3A_47 = %while3A_38#2, %while3A_48 = %while3A_38#3, %while3A_49 = %while3A_38#4, %while3A_50 = %while3A_38#5, %while3A_51 = %while3A_38#6, %while3A_52 = %while3A_38#7, %while3A_53 = %while3A_38#8, %while3A_54 = %while3A_38#9) -> (vector<16xf32>, vector<16xf32>, vector<16xf32>, vector<16xf32>, vector<16xf32>, vector<16xf32>, vector<16xf32>, vector<16xf32>, vector<16xf32>, vector<16xf32>)  : i32 {
      %rem3A_55 = arith.constant 2 : i32
      %rem3A_56 = arith.remsi %while3A_44, %rem3A_55 : i32
      %mul3A_57 = arith.constant 160 : i32
      %mul3A_58 = arith.muli %while3A_44, %mul3A_57 : i32
      %add3A_59 = arith.addi %multiple_of3A_24, %mul3A_58 : i32
      %min3A = arith.constant 319840 : i32
      %min3A_60 = arith.minsi %add3A_59, %min3A : i32
      %multiple_of3A_61 = tpu.assume_multiple %min3A_60, 8 : i32
      %eq3A = arith.constant 0 : i32
      %eq3A_62 = arith.cmpi eq, %rem3A_56, %eq3A : i32
      %convert_element_type3A_63 = arith.extui %eq3A_62 : i1 to i32
      %cond3A_64 = arith.constant 0 : i32
      %cond3A_65 = arith.cmpi ne, %convert_element_type3A_63, %cond3A_64 : i32
      scf.if %cond3A_65 {
        %dma_wait3A = arith.constant 0 : i32
        %dma_wait3A_145 = arith.constant 0 : i32
        %dma_wait3A_146 = arith.constant 0 : i32
        %dma_wait3A_147 = tpu.memref_slice %arg8[%dma_wait3A, %dma_wait3A_145, %dma_wait3A_146] : memref<2x160x128xf32, #tpu.memory_space<vmem>> -> memref<1x160x128xf32, #tpu.memory_space<vmem>>
        %dma_wait3A_148 = tpu.memref_squeeze %dma_wait3A_147 : memref<1x160x128xf32, #tpu.memory_space<vmem>> -> memref<160x128xf32, #tpu.memory_space<vmem>>
        %dma_wait3A_149 = arith.constant 0 : i32
        %dma_wait3A_150 = arith.constant 0 : i32
        %dma_wait3A_151 = tpu.memref_slice %arg2[%dma_wait3A_149, %dma_wait3A_150] : memref<320000x128xf32, #tpu.memory_space<hbm>> -> memref<160x128xf32, #tpu.memory_space<hbm>>
        %dma_wait3A_152 = arith.constant 0 : i32
        %dma_wait3A_153 = arith.constant 0 : i32
        %dma_wait3A_154 = tpu.memref_slice %arg8[%dma_wait3A, %dma_wait3A_152, %dma_wait3A_153] : memref<2x160x128xf32, #tpu.memory_space<vmem>> -> memref<1x160x128xf32, #tpu.memory_space<vmem>>
        %dma_wait3A_155 = tpu.memref_squeeze %dma_wait3A_154 : memref<1x160x128xf32, #tpu.memory_space<vmem>> -> memref<160x128xf32, #tpu.memory_space<vmem>>
        %dma_wait3A_156 = arith.constant 0 : i32
        %dma_wait3A_157 = arith.constant 0 : i32
        %dma_wait3A_158 = tpu.memref_slice %arg2[%dma_wait3A_156, %dma_wait3A_157] : memref<320000x128xf32, #tpu.memory_space<hbm>> -> memref<160x128xf32, #tpu.memory_space<hbm>>
        tpu.wait_dma2 semaphore(%arg13 : memref<!tpu.dma_semaphore, #tpu.memory_space<semaphore_mem>>) src(%dma_wait3A_158 : memref<160x128xf32, #tpu.memory_space<hbm>>) dst(%dma_wait3A_155 : memref<160x128xf32, #tpu.memory_space<vmem>>)
        %dma_wait3A_159 = arith.constant 0 : i32
        %dma_wait3A_160 = tpu.memref_slice %arg9[%dma_wait3A_159] : memref<176xi32, #tpu.memory_space<vmem>> -> memref<160xi32, #tpu.memory_space<vmem>>
        %dma_wait3A_161 = arith.constant 0 : i32
        %dma_wait3A_162 = tpu.memref_slice %arg3[%dma_wait3A_161] : memref<320000xi32, #tpu.memory_space<hbm>> -> memref<160xi32, #tpu.memory_space<hbm>>
        %dma_wait3A_163 = arith.constant 0 : i32
        %dma_wait3A_164 = tpu.memref_slice %arg9[%dma_wait3A_163] : memref<176xi32, #tpu.memory_space<vmem>> -> memref<160xi32, #tpu.memory_space<vmem>>
        %dma_wait3A_165 = arith.constant 0 : i32
        %dma_wait3A_166 = tpu.memref_slice %arg3[%dma_wait3A_165] : memref<320000xi32, #tpu.memory_space<hbm>> -> memref<160xi32, #tpu.memory_space<hbm>>
        tpu.wait_dma2 semaphore(%arg15 : memref<!tpu.dma_semaphore, #tpu.memory_space<semaphore_mem>>) src(%dma_wait3A_166 : memref<160xi32, #tpu.memory_space<hbm>>) dst(%dma_wait3A_164 : memref<160xi32, #tpu.memory_space<vmem>>)
      } else {
      }
      %eq3A_66 = arith.constant 1 : i32
      %eq3A_67 = arith.cmpi eq, %rem3A_56, %eq3A_66 : i32
      %convert_element_type3A_68 = arith.extui %eq3A_67 : i1 to i32
      %cond3A_69 = arith.constant 0 : i32
      %cond3A_70 = arith.cmpi ne, %convert_element_type3A_68, %cond3A_69 : i32
      scf.if %cond3A_70 {
        %dma_wait3A = arith.constant 1 : i32
        %dma_wait3A_145 = arith.constant 0 : i32
        %dma_wait3A_146 = arith.constant 0 : i32
        %dma_wait3A_147 = tpu.memref_slice %arg8[%dma_wait3A, %dma_wait3A_145, %dma_wait3A_146] : memref<2x160x128xf32, #tpu.memory_space<vmem>> -> memref<1x160x128xf32, #tpu.memory_space<vmem>>
        %dma_wait3A_148 = tpu.memref_squeeze %dma_wait3A_147 : memref<1x160x128xf32, #tpu.memory_space<vmem>> -> memref<160x128xf32, #tpu.memory_space<vmem>>
        %dma_wait3A_149 = arith.constant 0 : i32
        %dma_wait3A_150 = arith.constant 0 : i32
        %dma_wait3A_151 = tpu.memref_slice %arg2[%dma_wait3A_149, %dma_wait3A_150] : memref<320000x128xf32, #tpu.memory_space<hbm>> -> memref<160x128xf32, #tpu.memory_space<hbm>>
        %dma_wait3A_152 = arith.constant 0 : i32
        %dma_wait3A_153 = arith.constant 0 : i32
        %dma_wait3A_154 = tpu.memref_slice %arg8[%dma_wait3A, %dma_wait3A_152, %dma_wait3A_153] : memref<2x160x128xf32, #tpu.memory_space<vmem>> -> memref<1x160x128xf32, #tpu.memory_space<vmem>>
        %dma_wait3A_155 = tpu.memref_squeeze %dma_wait3A_154 : memref<1x160x128xf32, #tpu.memory_space<vmem>> -> memref<160x128xf32, #tpu.memory_space<vmem>>
        %dma_wait3A_156 = arith.constant 0 : i32
        %dma_wait3A_157 = arith.constant 0 : i32
        %dma_wait3A_158 = tpu.memref_slice %arg2[%dma_wait3A_156, %dma_wait3A_157] : memref<320000x128xf32, #tpu.memory_space<hbm>> -> memref<160x128xf32, #tpu.memory_space<hbm>>
        tpu.wait_dma2 semaphore(%arg14 : memref<!tpu.dma_semaphore, #tpu.memory_space<semaphore_mem>>) src(%dma_wait3A_158 : memref<160x128xf32, #tpu.memory_space<hbm>>) dst(%dma_wait3A_155 : memref<160x128xf32, #tpu.memory_space<vmem>>)
        %dma_wait3A_159 = arith.constant 0 : i32
        %dma_wait3A_160 = tpu.memref_slice %arg10[%dma_wait3A_159] : memref<176xi32, #tpu.memory_space<vmem>> -> memref<160xi32, #tpu.memory_space<vmem>>
        %dma_wait3A_161 = arith.constant 0 : i32
        %dma_wait3A_162 = tpu.memref_slice %arg3[%dma_wait3A_161] : memref<320000xi32, #tpu.memory_space<hbm>> -> memref<160xi32, #tpu.memory_space<hbm>>
        %dma_wait3A_163 = arith.constant 0 : i32
        %dma_wait3A_164 = tpu.memref_slice %arg10[%dma_wait3A_163] : memref<176xi32, #tpu.memory_space<vmem>> -> memref<160xi32, #tpu.memory_space<vmem>>
        %dma_wait3A_165 = arith.constant 0 : i32
        %dma_wait3A_166 = tpu.memref_slice %arg3[%dma_wait3A_165] : memref<320000xi32, #tpu.memory_space<hbm>> -> memref<160xi32, #tpu.memory_space<hbm>>
        tpu.wait_dma2 semaphore(%arg16 : memref<!tpu.dma_semaphore, #tpu.memory_space<semaphore_mem>>) src(%dma_wait3A_166 : memref<160xi32, #tpu.memory_space<hbm>>) dst(%dma_wait3A_164 : memref<160xi32, #tpu.memory_space<vmem>>)
      } else {
      }
      %add3A_71 = arith.constant 1 : i32
      %add3A_72 = arith.addi %while3A_44, %add3A_71 : i32
      %lt3A = arith.cmpi slt, %add3A_72, %div3A_28 : i32
      %rem3A_73 = arith.constant 2 : i32
      %rem3A_74 = arith.remsi %add3A_72, %rem3A_73 : i32
      %eq3A_75 = arith.constant 0 : i32
      %eq3A_76 = arith.cmpi eq, %rem3A_74, %eq3A_75 : i32
      %and3A = arith.andi %lt3A, %eq3A_76 : i1
      %convert_element_type3A_77 = arith.extui %and3A : i1 to i32
      %cond3A_78 = arith.constant 0 : i32
      %cond3A_79 = arith.cmpi ne, %convert_element_type3A_77, %cond3A_78 : i32
      scf.if %cond3A_79 {
        %mul3A_145 = arith.constant 160 : i32
        %mul3A_146 = arith.muli %add3A_72, %mul3A_145 : i32
        %add3A_147 = arith.addi %multiple_of3A_24, %mul3A_146 : i32
        %min3A_148 = arith.constant 319840 : i32
        %min3A_149 = arith.minsi %add3A_147, %min3A_148 : i32
        %multiple_of3A_150 = tpu.assume_multiple %min3A_149, 8 : i32
        %dma_start3A = arith.constant 0 : i32
        %dma_start3A_151 = arith.constant 0 : i32
        %dma_start3A_152 = arith.constant 0 : i32
        %dma_start3A_153 = tpu.memref_slice %arg8[%dma_start3A, %dma_start3A_151, %dma_start3A_152] : memref<2x160x128xf32, #tpu.memory_space<vmem>> -> memref<1x160x128xf32, #tpu.memory_space<vmem>>
        %dma_start3A_154 = tpu.memref_squeeze %dma_start3A_153 : memref<1x160x128xf32, #tpu.memory_space<vmem>> -> memref<160x128xf32, #tpu.memory_space<vmem>>
        %dma_start3A_155 = arith.constant 0 : i32
        %dma_start3A_156 = tpu.memref_slice %arg2[%multiple_of3A_150, %dma_start3A_155] : memref<320000x128xf32, #tpu.memory_space<hbm>> -> memref<160x128xf32, #tpu.memory_space<hbm>>
        %dma_start3A_157 = arith.constant 0 : i32
        %dma_start3A_158 = arith.constant 0 : i32
        %dma_start3A_159 = tpu.memref_slice %arg8[%dma_start3A, %dma_start3A_157, %dma_start3A_158] : memref<2x160x128xf32, #tpu.memory_space<vmem>> -> memref<1x160x128xf32, #tpu.memory_space<vmem>>
        %dma_start3A_160 = tpu.memref_squeeze %dma_start3A_159 : memref<1x160x128xf32, #tpu.memory_space<vmem>> -> memref<160x128xf32, #tpu.memory_space<vmem>>
        %dma_start3A_161 = arith.constant 0 : i32
        %dma_start3A_162 = tpu.memref_slice %arg2[%multiple_of3A_150, %dma_start3A_161] : memref<320000x128xf32, #tpu.memory_space<hbm>> -> memref<160x128xf32, #tpu.memory_space<hbm>>
        tpu.enqueue_dma source(%dma_start3A_162 : memref<160x128xf32, #tpu.memory_space<hbm>>) target(%dma_start3A_160 : memref<160x128xf32, #tpu.memory_space<vmem>>) target_semaphore(%arg13 : memref<!tpu.dma_semaphore, #tpu.memory_space<semaphore_mem>>)
        %dma_start3A_163 = arith.constant 0 : i32
        %dma_start3A_164 = tpu.memref_slice %arg9[%dma_start3A_163] : memref<176xi32, #tpu.memory_space<vmem>> -> memref<160xi32, #tpu.memory_space<vmem>>
        %dma_start3A_165 = tpu.memref_slice %arg3[%multiple_of3A_150] : memref<320000xi32, #tpu.memory_space<hbm>> -> memref<160xi32, #tpu.memory_space<hbm>>
        %dma_start3A_166 = arith.constant 0 : i32
        %dma_start3A_167 = tpu.memref_slice %arg9[%dma_start3A_166] : memref<176xi32, #tpu.memory_space<vmem>> -> memref<160xi32, #tpu.memory_space<vmem>>
        %dma_start3A_168 = tpu.memref_slice %arg3[%multiple_of3A_150] : memref<320000xi32, #tpu.memory_space<hbm>> -> memref<160xi32, #tpu.memory_space<hbm>>
        tpu.enqueue_dma source(%dma_start3A_168 : memref<160xi32, #tpu.memory_space<hbm>>) target(%dma_start3A_167 : memref<160xi32, #tpu.memory_space<vmem>>) target_semaphore(%arg15 : memref<!tpu.dma_semaphore, #tpu.memory_space<semaphore_mem>>)
      } else {
      }
      %lt3A_80 = arith.cmpi slt, %add3A_72, %div3A_28 : i32
      %rem3A_81 = arith.constant 2 : i32
      %rem3A_82 = arith.remsi %add3A_72, %rem3A_81 : i32
      %eq3A_83 = arith.constant 1 : i32
      %eq3A_84 = arith.cmpi eq, %rem3A_82, %eq3A_83 : i32
      %and3A_85 = arith.andi %lt3A_80, %eq3A_84 : i1
      %convert_element_type3A_86 = arith.extui %and3A_85 : i1 to i32
      %cond3A_87 = arith.constant 0 : i32
      %cond3A_88 = arith.cmpi ne, %convert_element_type3A_86, %cond3A_87 : i32
      scf.if %cond3A_88 {
        %mul3A_145 = arith.constant 160 : i32
        %mul3A_146 = arith.muli %add3A_72, %mul3A_145 : i32
        %add3A_147 = arith.addi %multiple_of3A_24, %mul3A_146 : i32
        %min3A_148 = arith.constant 319840 : i32
        %min3A_149 = arith.minsi %add3A_147, %min3A_148 : i32
        %multiple_of3A_150 = tpu.assume_multiple %min3A_149, 8 : i32
        %dma_start3A = arith.constant 1 : i32
        %dma_start3A_151 = arith.constant 0 : i32
        %dma_start3A_152 = arith.constant 0 : i32
        %dma_start3A_153 = tpu.memref_slice %arg8[%dma_start3A, %dma_start3A_151, %dma_start3A_152] : memref<2x160x128xf32, #tpu.memory_space<vmem>> -> memref<1x160x128xf32, #tpu.memory_space<vmem>>
        %dma_start3A_154 = tpu.memref_squeeze %dma_start3A_153 : memref<1x160x128xf32, #tpu.memory_space<vmem>> -> memref<160x128xf32, #tpu.memory_space<vmem>>
        %dma_start3A_155 = arith.constant 0 : i32
        %dma_start3A_156 = tpu.memref_slice %arg2[%multiple_of3A_150, %dma_start3A_155] : memref<320000x128xf32, #tpu.memory_space<hbm>> -> memref<160x128xf32, #tpu.memory_space<hbm>>
        %dma_start3A_157 = arith.constant 0 : i32
        %dma_start3A_158 = arith.constant 0 : i32
        %dma_start3A_159 = tpu.memref_slice %arg8[%dma_start3A, %dma_start3A_157, %dma_start3A_158] : memref<2x160x128xf32, #tpu.memory_space<vmem>> -> memref<1x160x128xf32, #tpu.memory_space<vmem>>
        %dma_start3A_160 = tpu.memref_squeeze %dma_start3A_159 : memref<1x160x128xf32, #tpu.memory_space<vmem>> -> memref<160x128xf32, #tpu.memory_space<vmem>>
        %dma_start3A_161 = arith.constant 0 : i32
        %dma_start3A_162 = tpu.memref_slice %arg2[%multiple_of3A_150, %dma_start3A_161] : memref<320000x128xf32, #tpu.memory_space<hbm>> -> memref<160x128xf32, #tpu.memory_space<hbm>>
        tpu.enqueue_dma source(%dma_start3A_162 : memref<160x128xf32, #tpu.memory_space<hbm>>) target(%dma_start3A_160 : memref<160x128xf32, #tpu.memory_space<vmem>>) target_semaphore(%arg14 : memref<!tpu.dma_semaphore, #tpu.memory_space<semaphore_mem>>)
        %dma_start3A_163 = arith.constant 0 : i32
        %dma_start3A_164 = tpu.memref_slice %arg10[%dma_start3A_163] : memref<176xi32, #tpu.memory_space<vmem>> -> memref<160xi32, #tpu.memory_space<vmem>>
        %dma_start3A_165 = tpu.memref_slice %arg3[%multiple_of3A_150] : memref<320000xi32, #tpu.memory_space<hbm>> -> memref<160xi32, #tpu.memory_space<hbm>>
        %dma_start3A_166 = arith.constant 0 : i32
        %dma_start3A_167 = tpu.memref_slice %arg10[%dma_start3A_166] : memref<176xi32, #tpu.memory_space<vmem>> -> memref<160xi32, #tpu.memory_space<vmem>>
        %dma_start3A_168 = tpu.memref_slice %arg3[%multiple_of3A_150] : memref<320000xi32, #tpu.memory_space<hbm>> -> memref<160xi32, #tpu.memory_space<hbm>>
        tpu.enqueue_dma source(%dma_start3A_168 : memref<160xi32, #tpu.memory_space<hbm>>) target(%dma_start3A_167 : memref<160xi32, #tpu.memory_space<vmem>>) target_semaphore(%arg16 : memref<!tpu.dma_semaphore, #tpu.memory_space<semaphore_mem>>)
      } else {
      }
      %mul3A_89 = arith.constant 160 : i32
      %mul3A_90 = arith.muli %while3A_44, %mul3A_89 : i32
      %add3A_91 = arith.addi %multiple_of3A_24, %mul3A_90 : i32
      %max3A = arith.maxsi %squeeze3A, %add3A_91 : i32
      %sub3A_92 = arith.subi %max3A, %multiple_of3A_61 : i32
      %add3A_93 = arith.constant 1 : i32
      %add3A_94 = arith.addi %while3A_44, %add3A_93 : i32
      %mul3A_95 = arith.constant 160 : i32
      %mul3A_96 = arith.muli %add3A_94, %mul3A_95 : i32
      %add3A_97 = arith.addi %multiple_of3A_24, %mul3A_96 : i32
      %min3A_98 = arith.minsi %squeeze3A_20, %add3A_97 : i32
      %sub3A_99 = arith.subi %min3A_98, %multiple_of3A_61 : i32
      %gt3A_100 = arith.cmpi sgt, %sub3A_99, %sub3A_92 : i32
      %get3A_101 = arith.index_cast %sub3A_92 : i32 to index
      %get3A_102 = tpu.vector_load %arg9[%get3A_101] {strides = array<i32>} : memref<176xi32, #tpu.memory_space<vmem>>, vector<16xi32>,
      %slice3A_103 = vector.extract_strided_slice %get3A_102 {offsets = [0], sizes = [1], strides = [1]} : vector<16xi32> to vector<1xi32>
      %squeeze3A_104 = vector.extract %slice3A_103[0] : i32 from vector<1xi32>
      %get3A_105 = arith.index_cast %sub3A_92 : i32 to index
      %get3A_106 = tpu.vector_load %arg10[%get3A_105] {strides = array<i32>} : memref<176xi32, #tpu.memory_space<vmem>>, vector<16xi32>,
      %slice3A_107 = vector.extract_strided_slice %get3A_106 {offsets = [0], sizes = [1], strides = [1]} : vector<16xi32> to vector<1xi32>
      %squeeze3A_108 = vector.extract %slice3A_107[0] : i32 from vector<1xi32>
      %sub3A_109 = arith.constant 1 : i32
      %sub3A_110 = arith.subi %sub3A_99, %sub3A_109 : i32
      %max3A_111 = arith.constant 0 : i32
      %max3A_112 = arith.maxsi %sub3A_110, %max3A_111 : i32
      %get3A_113 = arith.index_cast %max3A_112 : i32 to index
      %get3A_114 = tpu.vector_load %arg9[%get3A_113] {strides = array<i32>} : memref<176xi32, #tpu.memory_space<vmem>>, vector<16xi32>,
      %slice3A_115 = vector.extract_strided_slice %get3A_114 {offsets = [0], sizes = [1], strides = [1]} : vector<16xi32> to vector<1xi32>
      %squeeze3A_116 = vector.extract %slice3A_115[0] : i32 from vector<1xi32>
      %sub3A_117 = arith.constant 1 : i32
      %sub3A_118 = arith.subi %sub3A_99, %sub3A_117 : i32
      %max3A_119 = arith.constant 0 : i32
      %max3A_120 = arith.maxsi %sub3A_118, %max3A_119 : i32
      %get3A_121 = arith.index_cast %max3A_120 : i32 to index
      %get3A_122 = tpu.vector_load %arg10[%get3A_121] {strides = array<i32>} : memref<176xi32, #tpu.memory_space<vmem>>, vector<16xi32>,
      %slice3A_123 = vector.extract_strided_slice %get3A_122 {offsets = [0], sizes = [1], strides = [1]} : vector<16xi32> to vector<1xi32>
      %squeeze3A_124 = vector.extract %slice3A_123[0] : i32 from vector<1xi32>
      %eq3A_125 = arith.constant 0 : i32
      %eq3A_126 = arith.cmpi eq, %rem3A_56, %eq3A_125 : i32
      %select_n3A = arith.select %eq3A_126, %squeeze3A_104, %squeeze3A_108 : i32
      %eq3A_127 = arith.constant 0 : i32
      %eq3A_128 = arith.cmpi eq, %rem3A_56, %eq3A_127 : i32
      %select_n3A_129 = arith.select %eq3A_128, %squeeze3A_116, %squeeze3A_124 : i32
      %jit3A = arith.constant 1 : i32
      %select_n3A_130 = arith.select %gt3A_100, %select_n3A, %jit3A : i32
      %jit3A_131 = arith.constant 0 : i32
      %select_n3A_132 = arith.select %gt3A_100, %select_n3A_129, %jit3A_131 : i32
      %add3A_133 = arith.constant 1 : i32
      %add3A_134 = arith.addi %select_n3A_132, %add3A_133 : i32
      %while3A_135 = arith.subi %add3A_134, %select_n3A_130 : i32
      %while3A_136 = arith.addi %select_n3A_130, %while3A_135 : i32
      %while3A_137 = arith.constant 1 : i32
      %while3A_138 = arith.divsi %while3A_135, %while3A_137 : i32
      %while3A_139 = arith.muli %while3A_138, %while3A_137 : i32
      %while3A_140 = arith.addi %select_n3A_130, %while3A_139 : i32
      %while3A_141 = arith.constant 1 : i32
      %while3A_142:10 = scf.for %while3A_145 = %select_n3A_130 to %while3A_140 step %while3A_141 iter_args(%while3A_146 = %while3A_45, %while3A_147 = %while3A_46, %while3A_148 = %while3A_47, %while3A_149 = %while3A_48, %while3A_150 = %while3A_49, %while3A_151 = %while3A_50, %while3A_152 = %while3A_51, %while3A_153 = %while3A_52, %while3A_154 = %while3A_53, %while3A_155 = %while3A_54) -> (vector<16xf32>, vector<16xf32>, vector<16xf32>, vector<16xf32>, vector<16xf32>, vector<16xf32>, vector<16xf32>, vector<16xf32>, vector<16xf32>, vector<16xf32>)  : i32 {
        %sub3A_156 = arith.subi %while3A_145, %multiple_of3A : i32
        %get3A_157 = arith.index_cast %sub3A_156 : i32 to index
        %get3A_158 = tpu.vector_load %arg7[%get3A_157] {strides = array<i32>} : memref<352xi32, #tpu.memory_space<vmem>>, vector<16xi32>,
        %slice3A_159 = vector.extract_strided_slice %get3A_158 {offsets = [0], sizes = [1], strides = [1]} : vector<16xi32> to vector<1xi32>
        %squeeze3A_160 = vector.extract %slice3A_159[0] : i32 from vector<1xi32>
        %slice3A_161 = vector.extract_strided_slice %get3A_158 {offsets = [1], sizes = [1], strides = [1]} : vector<16xi32> to vector<1xi32>
        %squeeze3A_162 = vector.extract %slice3A_161[0] : i32 from vector<1xi32>
        %add3A_163 = arith.addi %multiple_of3A_61, %sub3A_92 : i32
        %ge3A = arith.cmpi sge, %squeeze3A_160, %add3A_163 : i32
        %select_n3A_164 = arith.select %ge3A, %broadcast_in_dim3A_6, %while3A_146 : vector<16xf32>
        %select_n3A_165 = arith.select %ge3A, %broadcast_in_dim3A_4, %while3A_147 : vector<16xf32>
        %select_n3A_166 = arith.select %ge3A, %broadcast_in_dim3A_4, %while3A_148 : vector<16xf32>
        %select_n3A_167 = arith.select %ge3A, %broadcast_in_dim3A_4, %while3A_149 : vector<16xf32>
        %select_n3A_168 = arith.select %ge3A, %broadcast_in_dim3A_4, %while3A_150 : vector<16xf32>
        %select_n3A_169 = arith.select %ge3A, %broadcast_in_dim3A_4, %while3A_151 : vector<16xf32>
        %select_n3A_170 = arith.select %ge3A, %broadcast_in_dim3A_4, %while3A_152 : vector<16xf32>
        %select_n3A_171 = arith.select %ge3A, %broadcast_in_dim3A_4, %while3A_153 : vector<16xf32>
        %select_n3A_172 = arith.select %ge3A, %broadcast_in_dim3A_4, %while3A_154 : vector<16xf32>
        %select_n3A_173 = arith.select %ge3A, %broadcast_in_dim3A_4, %while3A_155 : vector<16xf32>
        %sub3A_174 = arith.subi %while3A_145, %mul3A_2 : i32
        %get3A_175 = arith.index_cast %sub3A_174 : i32 to index
        %get3A_176 = arith.constant 0 : index
        %get3A_177 = tpu.vector_load %arg11[%get3A_175, %get3A_176] {strides = array<i32>} : memref<320x128xf32, #tpu.memory_space<vmem>>, vector<16xf32>,
        %get3A_178 = arith.index_cast %sub3A_174 : i32 to index
        %get3A_179 = arith.constant 16 : index
        %get3A_180 = tpu.vector_load %arg11[%get3A_178, %get3A_179] {strides = array<i32>} : memref<320x128xf32, #tpu.memory_space<vmem>>, vector<16xf32>,
        %get3A_181 = arith.index_cast %sub3A_174 : i32 to index
        %get3A_182 = arith.constant 32 : index
        %get3A_183 = tpu.vector_load %arg11[%get3A_181, %get3A_182] {strides = array<i32>} : memref<320x128xf32, #tpu.memory_space<vmem>>, vector<16xf32>,
        %get3A_184 = arith.index_cast %sub3A_174 : i32 to index
        %get3A_185 = arith.constant 48 : index
        %get3A_186 = tpu.vector_load %arg11[%get3A_184, %get3A_185] {strides = array<i32>} : memref<320x128xf32, #tpu.memory_space<vmem>>, vector<16xf32>,
        %get3A_187 = arith.index_cast %sub3A_174 : i32 to index
        %get3A_188 = arith.constant 64 : index
        %get3A_189 = tpu.vector_load %arg11[%get3A_187, %get3A_188] {strides = array<i32>} : memref<320x128xf32, #tpu.memory_space<vmem>>, vector<16xf32>,
        %get3A_190 = arith.index_cast %sub3A_174 : i32 to index
        %get3A_191 = arith.constant 80 : index
        %get3A_192 = tpu.vector_load %arg11[%get3A_190, %get3A_191] {strides = array<i32>} : memref<320x128xf32, #tpu.memory_space<vmem>>, vector<16xf32>,
        %get3A_193 = arith.index_cast %sub3A_174 : i32 to index
        %get3A_194 = arith.constant 96 : index
        %get3A_195 = tpu.vector_load %arg11[%get3A_193, %get3A_194] {strides = array<i32>} : memref<320x128xf32, #tpu.memory_space<vmem>>, vector<16xf32>,
        %get3A_196 = arith.index_cast %sub3A_174 : i32 to index
        %get3A_197 = arith.constant 112 : index
        %get3A_198 = tpu.vector_load %arg11[%get3A_196, %get3A_197] {strides = array<i32>} : memref<320x128xf32, #tpu.memory_space<vmem>>, vector<16xf32>,
        %sub3A_199 = arith.subi %squeeze3A_160, %multiple_of3A_61 : i32
        %max3A_200 = arith.maxsi %sub3A_92, %sub3A_199 : i32
        %sub3A_201 = arith.subi %squeeze3A_162, %multiple_of3A_61 : i32
        %min3A_202 = arith.minsi %sub3A_99, %sub3A_201 : i32
        %while3A_203 = arith.subi %min3A_202, %max3A_200 : i32
        %while3A_204 = arith.addi %max3A_200, %while3A_203 : i32
        %while3A_205 = arith.constant 1 : i32
        %while3A_206 = arith.divsi %while3A_203, %while3A_205 : i32
        %while3A_207 = arith.muli %while3A_206, %while3A_205 : i32
        %while3A_208 = arith.addi %max3A_200, %while3A_207 : i32
        %while3A_209 = arith.constant 1 : i32
        %while3A_210:10 = scf.for %while3A_217 = %max3A_200 to %while3A_208 step %while3A_209 iter_args(%while3A_218 = %select_n3A_164, %while3A_219 = %select_n3A_165, %while3A_220 = %select_n3A_166, %while3A_221 = %select_n3A_167, %while3A_222 = %select_n3A_168, %while3A_223 = %select_n3A_169, %while3A_224 = %select_n3A_170, %while3A_225 = %select_n3A_171, %while3A_226 = %select_n3A_172, %while3A_227 = %select_n3A_173) -> (vector<16xf32>, vector<16xf32>, vector<16xf32>, vector<16xf32>, vector<16xf32>, vector<16xf32>, vector<16xf32>, vector<16xf32>, vector<16xf32>, vector<16xf32>)  : i32 {
          %get3A_228 = arith.index_cast %rem3A_56 : i32 to index
          %get3A_229 = arith.index_cast %while3A_217 : i32 to index
          %get3A_230 = arith.constant 0 : index
          %get3A_231 = tpu.vector_load %arg8[%get3A_228, %get3A_229, %get3A_230] {strides = array<i32>} : memref<2x160x128xf32, #tpu.memory_space<vmem>>, vector<16xf32>,
          %get3A_232 = arith.index_cast %rem3A_56 : i32 to index
          %get3A_233 = arith.index_cast %while3A_217 : i32 to index
          %get3A_234 = arith.constant 16 : index
          %get3A_235 = tpu.vector_load %arg8[%get3A_232, %get3A_233, %get3A_234] {strides = array<i32>} : memref<2x160x128xf32, #tpu.memory_space<vmem>>, vector<16xf32>,
          %get3A_236 = arith.index_cast %rem3A_56 : i32 to index
          %get3A_237 = arith.index_cast %while3A_217 : i32 to index
          %get3A_238 = arith.constant 32 : index
          %get3A_239 = tpu.vector_load %arg8[%get3A_236, %get3A_237, %get3A_238] {strides = array<i32>} : memref<2x160x128xf32, #tpu.memory_space<vmem>>, vector<16xf32>,
          %get3A_240 = arith.index_cast %rem3A_56 : i32 to index
          %get3A_241 = arith.index_cast %while3A_217 : i32 to index
          %get3A_242 = arith.constant 48 : index
          %get3A_243 = tpu.vector_load %arg8[%get3A_240, %get3A_241, %get3A_242] {strides = array<i32>} : memref<2x160x128xf32, #tpu.memory_space<vmem>>, vector<16xf32>,
          %get3A_244 = arith.index_cast %rem3A_56 : i32 to index
          %get3A_245 = arith.index_cast %while3A_217 : i32 to index
          %get3A_246 = arith.constant 64 : index
          %get3A_247 = tpu.vector_load %arg8[%get3A_244, %get3A_245, %get3A_246] {strides = array<i32>} : memref<2x160x128xf32, #tpu.memory_space<vmem>>, vector<16xf32>,
          %get3A_248 = arith.index_cast %rem3A_56 : i32 to index
          %get3A_249 = arith.index_cast %while3A_217 : i32 to index
          %get3A_250 = arith.constant 80 : index
          %get3A_251 = tpu.vector_load %arg8[%get3A_248, %get3A_249, %get3A_250] {strides = array<i32>} : memref<2x160x128xf32, #tpu.memory_space<vmem>>, vector<16xf32>,
          %get3A_252 = arith.index_cast %rem3A_56 : i32 to index
          %get3A_253 = arith.index_cast %while3A_217 : i32 to index
          %get3A_254 = arith.constant 96 : index
          %get3A_255 = tpu.vector_load %arg8[%get3A_252, %get3A_253, %get3A_254] {strides = array<i32>} : memref<2x160x128xf32, #tpu.memory_space<vmem>>, vector<16xf32>,
          %get3A_256 = arith.index_cast %rem3A_56 : i32 to index
          %get3A_257 = arith.index_cast %while3A_217 : i32 to index
          %get3A_258 = arith.constant 112 : index
          %get3A_259 = tpu.vector_load %arg8[%get3A_256, %get3A_257, %get3A_258] {strides = array<i32>} : memref<2x160x128xf32, #tpu.memory_space<vmem>>, vector<16xf32>,
          %mul3A_260 = arith.mulf %get3A_231, %get3A_177 : vector<16xf32>
          %mul3A_261 = arith.mulf %get3A_235, %get3A_180 : vector<16xf32>
          %add3A_262 = arith.addf %mul3A_260, %mul3A_261 : vector<16xf32>
          %mul3A_263 = arith.mulf %get3A_239, %get3A_183 : vector<16xf32>
          %mul3A_264 = arith.mulf %get3A_243, %get3A_186 : vector<16xf32>
          %add3A_265 = arith.addf %mul3A_263, %mul3A_264 : vector<16xf32>
          %mul3A_266 = arith.mulf %get3A_247, %get3A_189 : vector<16xf32>
          %mul3A_267 = arith.mulf %get3A_251, %get3A_192 : vector<16xf32>
          %add3A_268 = arith.addf %mul3A_266, %mul3A_267 : vector<16xf32>
          %mul3A_269 = arith.mulf %get3A_255, %get3A_195 : vector<16xf32>
          %mul3A_270 = arith.mulf %get3A_259, %get3A_198 : vector<16xf32>
          %add3A_271 = arith.addf %mul3A_269, %mul3A_270 : vector<16xf32>
          %add3A_272 = arith.addf %add3A_262, %add3A_265 : vector<16xf32>
          %add3A_273 = arith.addf %add3A_268, %add3A_271 : vector<16xf32>
          %add3A_274 = arith.addf %add3A_272, %add3A_273 : vector<16xf32>
          %reduce_sum3A = arith.constant true
          %reduce_sum3A_275 = vector.broadcast %reduce_sum3A : i1 to vector<16xi1>
          %reduce_sum3A_276 = tpu.scan <sum>, %add3A_274 masked %reduce_sum3A_275 : vector<16xf32>, vector<16xi1> -> vector<16xf32>
          %reduce_sum3A_277 = vector.extract %reduce_sum3A_276[15] : f32 from vector<16xf32>
          %broadcast_in_dim3A_278 = vector.broadcast %reduce_sum3A_277 : f32 to vector<16xf32>
          %max3A_279 = arith.maximumf %while3A_218, %broadcast_in_dim3A_278 : vector<16xf32>
          %sub3A_280 = arith.subf %while3A_218, %max3A_279 : vector<16xf32>
          %exp3A = math.exp %sub3A_280 : vector<16xf32>
          %sub3A_281 = arith.subf %broadcast_in_dim3A_278, %max3A_279 : vector<16xf32>
          %exp3A_282 = math.exp %sub3A_281 : vector<16xf32>
          %mul3A_283 = arith.mulf %while3A_219, %exp3A : vector<16xf32>
          %add3A_284 = arith.addf %mul3A_283, %exp3A_282 : vector<16xf32>
          %mul3A_285 = arith.mulf %while3A_220, %exp3A : vector<16xf32>
          %mul3A_286 = arith.mulf %get3A_231, %exp3A_282 : vector<16xf32>
          %add3A_287 = arith.addf %mul3A_285, %mul3A_286 : vector<16xf32>
          %mul3A_288 = arith.mulf %while3A_221, %exp3A : vector<16xf32>
          %mul3A_289 = arith.mulf %get3A_235, %exp3A_282 : vector<16xf32>
          %add3A_290 = arith.addf %mul3A_288, %mul3A_289 : vector<16xf32>
          %mul3A_291 = arith.mulf %while3A_222, %exp3A : vector<16xf32>
          %mul3A_292 = arith.mulf %get3A_239, %exp3A_282 : vector<16xf32>
          %add3A_293 = arith.addf %mul3A_291, %mul3A_292 : vector<16xf32>
          %mul3A_294 = arith.mulf %while3A_223, %exp3A : vector<16xf32>
          %mul3A_295 = arith.mulf %get3A_243, %exp3A_282 : vector<16xf32>
          %add3A_296 = arith.addf %mul3A_294, %mul3A_295 : vector<16xf32>
          %mul3A_297 = arith.mulf %while3A_224, %exp3A : vector<16xf32>
          %mul3A_298 = arith.mulf %get3A_247, %exp3A_282 : vector<16xf32>
          %add3A_299 = arith.addf %mul3A_297, %mul3A_298 : vector<16xf32>
          %mul3A_300 = arith.mulf %while3A_225, %exp3A : vector<16xf32>
          %mul3A_301 = arith.mulf %get3A_251, %exp3A_282 : vector<16xf32>
          %add3A_302 = arith.addf %mul3A_300, %mul3A_301 : vector<16xf32>
          %mul3A_303 = arith.mulf %while3A_226, %exp3A : vector<16xf32>
          %mul3A_304 = arith.mulf %get3A_255, %exp3A_282 : vector<16xf32>
          %add3A_305 = arith.addf %mul3A_303, %mul3A_304 : vector<16xf32>
          %mul3A_306 = arith.mulf %while3A_227, %exp3A : vector<16xf32>
          %mul3A_307 = arith.mulf %get3A_259, %exp3A_282 : vector<16xf32>
          %add3A_308 = arith.addf %mul3A_306, %mul3A_307 : vector<16xf32>
          scf.yield %max3A_279, %add3A_284, %add3A_287, %add3A_290, %add3A_293, %add3A_296, %add3A_299, %add3A_302, %add3A_305, %add3A_308 : vector<16xf32>, vector<16xf32>, vector<16xf32>, vector<16xf32>, vector<16xf32>, vector<16xf32>, vector<16xf32>, vector<16xf32>, vector<16xf32>, vector<16xf32>
        }
        %while3A_211 = arith.constant 1 : i32
        %while3A_212:10 = scf.for %while3A_217 = %while3A_208 to %while3A_204 step %while3A_211 iter_args(%while3A_218 = %while3A_210#0, %while3A_219 = %while3A_210#1, %while3A_220 = %while3A_210#2, %while3A_221 = %while3A_210#3, %while3A_222 = %while3A_210#4, %while3A_223 = %while3A_210#5, %while3A_224 = %while3A_210#6, %while3A_225 = %while3A_210#7, %while3A_226 = %while3A_210#8, %while3A_227 = %while3A_210#9) -> (vector<16xf32>, vector<16xf32>, vector<16xf32>, vector<16xf32>, vector<16xf32>, vector<16xf32>, vector<16xf32>, vector<16xf32>, vector<16xf32>, vector<16xf32>)  : i32 {
          %get3A_228 = arith.index_cast %rem3A_56 : i32 to index
          %get3A_229 = arith.index_cast %while3A_217 : i32 to index
          %get3A_230 = arith.constant 0 : index
          %get3A_231 = tpu.vector_load %arg8[%get3A_228, %get3A_229, %get3A_230] {strides = array<i32>} : memref<2x160x128xf32, #tpu.memory_space<vmem>>, vector<16xf32>,
          %get3A_232 = arith.index_cast %rem3A_56 : i32 to index
          %get3A_233 = arith.index_cast %while3A_217 : i32 to index
          %get3A_234 = arith.constant 16 : index
          %get3A_235 = tpu.vector_load %arg8[%get3A_232, %get3A_233, %get3A_234] {strides = array<i32>} : memref<2x160x128xf32, #tpu.memory_space<vmem>>, vector<16xf32>,
          %get3A_236 = arith.index_cast %rem3A_56 : i32 to index
          %get3A_237 = arith.index_cast %while3A_217 : i32 to index
          %get3A_238 = arith.constant 32 : index
          %get3A_239 = tpu.vector_load %arg8[%get3A_236, %get3A_237, %get3A_238] {strides = array<i32>} : memref<2x160x128xf32, #tpu.memory_space<vmem>>, vector<16xf32>,
          %get3A_240 = arith.index_cast %rem3A_56 : i32 to index
          %get3A_241 = arith.index_cast %while3A_217 : i32 to index
          %get3A_242 = arith.constant 48 : index
          %get3A_243 = tpu.vector_load %arg8[%get3A_240, %get3A_241, %get3A_242] {strides = array<i32>} : memref<2x160x128xf32, #tpu.memory_space<vmem>>, vector<16xf32>,
          %get3A_244 = arith.index_cast %rem3A_56 : i32 to index
          %get3A_245 = arith.index_cast %while3A_217 : i32 to index
          %get3A_246 = arith.constant 64 : index
          %get3A_247 = tpu.vector_load %arg8[%get3A_244, %get3A_245, %get3A_246] {strides = array<i32>} : memref<2x160x128xf32, #tpu.memory_space<vmem>>, vector<16xf32>,
          %get3A_248 = arith.index_cast %rem3A_56 : i32 to index
          %get3A_249 = arith.index_cast %while3A_217 : i32 to index
          %get3A_250 = arith.constant 80 : index
          %get3A_251 = tpu.vector_load %arg8[%get3A_248, %get3A_249, %get3A_250] {strides = array<i32>} : memref<2x160x128xf32, #tpu.memory_space<vmem>>, vector<16xf32>,
          %get3A_252 = arith.index_cast %rem3A_56 : i32 to index
          %get3A_253 = arith.index_cast %while3A_217 : i32 to index
          %get3A_254 = arith.constant 96 : index
          %get3A_255 = tpu.vector_load %arg8[%get3A_252, %get3A_253, %get3A_254] {strides = array<i32>} : memref<2x160x128xf32, #tpu.memory_space<vmem>>, vector<16xf32>,
          %get3A_256 = arith.index_cast %rem3A_56 : i32 to index
          %get3A_257 = arith.index_cast %while3A_217 : i32 to index
          %get3A_258 = arith.constant 112 : index
          %get3A_259 = tpu.vector_load %arg8[%get3A_256, %get3A_257, %get3A_258] {strides = array<i32>} : memref<2x160x128xf32, #tpu.memory_space<vmem>>, vector<16xf32>,
          %mul3A_260 = arith.mulf %get3A_231, %get3A_177 : vector<16xf32>
          %mul3A_261 = arith.mulf %get3A_235, %get3A_180 : vector<16xf32>
          %add3A_262 = arith.addf %mul3A_260, %mul3A_261 : vector<16xf32>
          %mul3A_263 = arith.mulf %get3A_239, %get3A_183 : vector<16xf32>
          %mul3A_264 = arith.mulf %get3A_243, %get3A_186 : vector<16xf32>
          %add3A_265 = arith.addf %mul3A_263, %mul3A_264 : vector<16xf32>
          %mul3A_266 = arith.mulf %get3A_247, %get3A_189 : vector<16xf32>
          %mul3A_267 = arith.mulf %get3A_251, %get3A_192 : vector<16xf32>
          %add3A_268 = arith.addf %mul3A_266, %mul3A_267 : vector<16xf32>
          %mul3A_269 = arith.mulf %get3A_255, %get3A_195 : vector<16xf32>
          %mul3A_270 = arith.mulf %get3A_259, %get3A_198 : vector<16xf32>
          %add3A_271 = arith.addf %mul3A_269, %mul3A_270 : vector<16xf32>
          %add3A_272 = arith.addf %add3A_262, %add3A_265 : vector<16xf32>
          %add3A_273 = arith.addf %add3A_268, %add3A_271 : vector<16xf32>
          %add3A_274 = arith.addf %add3A_272, %add3A_273 : vector<16xf32>
          %reduce_sum3A = arith.constant true
          %reduce_sum3A_275 = vector.broadcast %reduce_sum3A : i1 to vector<16xi1>
          %reduce_sum3A_276 = tpu.scan <sum>, %add3A_274 masked %reduce_sum3A_275 : vector<16xf32>, vector<16xi1> -> vector<16xf32>
          %reduce_sum3A_277 = vector.extract %reduce_sum3A_276[15] : f32 from vector<16xf32>
          %broadcast_in_dim3A_278 = vector.broadcast %reduce_sum3A_277 : f32 to vector<16xf32>
          %max3A_279 = arith.maximumf %while3A_218, %broadcast_in_dim3A_278 : vector<16xf32>
          %sub3A_280 = arith.subf %while3A_218, %max3A_279 : vector<16xf32>
          %exp3A = math.exp %sub3A_280 : vector<16xf32>
          %sub3A_281 = arith.subf %broadcast_in_dim3A_278, %max3A_279 : vector<16xf32>
          %exp3A_282 = math.exp %sub3A_281 : vector<16xf32>
          %mul3A_283 = arith.mulf %while3A_219, %exp3A : vector<16xf32>
          %add3A_284 = arith.addf %mul3A_283, %exp3A_282 : vector<16xf32>
          %mul3A_285 = arith.mulf %while3A_220, %exp3A : vector<16xf32>
          %mul3A_286 = arith.mulf %get3A_231, %exp3A_282 : vector<16xf32>
          %add3A_287 = arith.addf %mul3A_285, %mul3A_286 : vector<16xf32>
          %mul3A_288 = arith.mulf %while3A_221, %exp3A : vector<16xf32>
          %mul3A_289 = arith.mulf %get3A_235, %exp3A_282 : vector<16xf32>
          %add3A_290 = arith.addf %mul3A_288, %mul3A_289 : vector<16xf32>
          %mul3A_291 = arith.mulf %while3A_222, %exp3A : vector<16xf32>
          %mul3A_292 = arith.mulf %get3A_239, %exp3A_282 : vector<16xf32>
          %add3A_293 = arith.addf %mul3A_291, %mul3A_292 : vector<16xf32>
          %mul3A_294 = arith.mulf %while3A_223, %exp3A : vector<16xf32>
          %mul3A_295 = arith.mulf %get3A_243, %exp3A_282 : vector<16xf32>
          %add3A_296 = arith.addf %mul3A_294, %mul3A_295 : vector<16xf32>
          %mul3A_297 = arith.mulf %while3A_224, %exp3A : vector<16xf32>
          %mul3A_298 = arith.mulf %get3A_247, %exp3A_282 : vector<16xf32>
          %add3A_299 = arith.addf %mul3A_297, %mul3A_298 : vector<16xf32>
          %mul3A_300 = arith.mulf %while3A_225, %exp3A : vector<16xf32>
          %mul3A_301 = arith.mulf %get3A_251, %exp3A_282 : vector<16xf32>
          %add3A_302 = arith.addf %mul3A_300, %mul3A_301 : vector<16xf32>
          %mul3A_303 = arith.mulf %while3A_226, %exp3A : vector<16xf32>
          %mul3A_304 = arith.mulf %get3A_255, %exp3A_282 : vector<16xf32>
          %add3A_305 = arith.addf %mul3A_303, %mul3A_304 : vector<16xf32>
          %mul3A_306 = arith.mulf %while3A_227, %exp3A : vector<16xf32>
          %mul3A_307 = arith.mulf %get3A_259, %exp3A_282 : vector<16xf32>
          %add3A_308 = arith.addf %mul3A_306, %mul3A_307 : vector<16xf32>
          scf.yield %max3A_279, %add3A_284, %add3A_287, %add3A_290, %add3A_293, %add3A_296, %add3A_299, %add3A_302, %add3A_305, %add3A_308 : vector<16xf32>, vector<16xf32>, vector<16xf32>, vector<16xf32>, vector<16xf32>, vector<16xf32>, vector<16xf32>, vector<16xf32>, vector<16xf32>, vector<16xf32>
        }
        %add3A_213 = arith.addi %multiple_of3A_61, %sub3A_99 : i32
        %le3A = arith.cmpi sle, %squeeze3A_162, %add3A_213 : i32
        %convert_element_type3A_214 = arith.extui %le3A : i1 to i32
        %cond3A_215 = arith.constant 0 : i32
        %cond3A_216 = arith.cmpi ne, %convert_element_type3A_214, %cond3A_215 : i32
        scf.if %cond3A_216 {
          %add3A_217 = arith.constant 9.99999996E-13 : f32
          %add3A_218 = vector.broadcast %add3A_217 : f32 to vector<16xf32>
          %add3A_219 = arith.addf %while3A_212#1, %add3A_218 : vector<16xf32>
          %div3A_220 = arith.constant 1.000000e+00 : f32
          %div3A_221 = vector.broadcast %div3A_220 : f32 to vector<16xf32>
          %div3A_222 = arith.divf %div3A_221, %add3A_219 : vector<16xf32>
          %mul3A_223 = arith.mulf %while3A_212#2, %div3A_222 : vector<16xf32>
          %mul3A_224 = arith.constant 128 : i32
          %mul3A_225 = arith.muli %sub3A_174, %mul3A_224 : i32
          %add3A_226 = arith.constant 0 : i32
          %add3A_227 = arith.addi %mul3A_225, %add3A_226 : i32
          %swap3A = arith.index_cast %add3A_227 : i32 to index
          %swap3A_228 = tpu.vector_load %arg12[%swap3A] {strides = array<i32>} : memref<40064xf32, #tpu.memory_space<vmem>>, vector<16xf32>,
          tpu.vector_store %arg12[%swap3A], %mul3A_223 {strides = array<i32>} : memref<40064xf32, #tpu.memory_space<vmem>>, vector<16xf32>,
          %mul3A_229 = arith.mulf %while3A_212#3, %div3A_222 : vector<16xf32>
          %mul3A_230 = arith.constant 128 : i32
          %mul3A_231 = arith.muli %sub3A_174, %mul3A_230 : i32
          %add3A_232 = arith.constant 16 : i32
          %add3A_233 = arith.addi %mul3A_231, %add3A_232 : i32
          %swap3A_234 = arith.index_cast %add3A_233 : i32 to index
          %swap3A_235 = tpu.vector_load %arg12[%swap3A_234] {strides = array<i32>} : memref<40064xf32, #tpu.memory_space<vmem>>, vector<16xf32>,
          tpu.vector_store %arg12[%swap3A_234], %mul3A_229 {strides = array<i32>} : memref<40064xf32, #tpu.memory_space<vmem>>, vector<16xf32>,
          %mul3A_236 = arith.mulf %while3A_212#4, %div3A_222 : vector<16xf32>
          %mul3A_237 = arith.constant 128 : i32
          %mul3A_238 = arith.muli %sub3A_174, %mul3A_237 : i32
          %add3A_239 = arith.constant 32 : i32
          %add3A_240 = arith.addi %mul3A_238, %add3A_239 : i32
          %swap3A_241 = arith.index_cast %add3A_240 : i32 to index
          %swap3A_242 = tpu.vector_load %arg12[%swap3A_241] {strides = array<i32>} : memref<40064xf32, #tpu.memory_space<vmem>>, vector<16xf32>,
          tpu.vector_store %arg12[%swap3A_241], %mul3A_236 {strides = array<i32>} : memref<40064xf32, #tpu.memory_space<vmem>>, vector<16xf32>,
          %mul3A_243 = arith.mulf %while3A_212#5, %div3A_222 : vector<16xf32>
          %mul3A_244 = arith.constant 128 : i32
          %mul3A_245 = arith.muli %sub3A_174, %mul3A_244 : i32
          %add3A_246 = arith.constant 48 : i32
          %add3A_247 = arith.addi %mul3A_245, %add3A_246 : i32
          %swap3A_248 = arith.index_cast %add3A_247 : i32 to index
          %swap3A_249 = tpu.vector_load %arg12[%swap3A_248] {strides = array<i32>} : memref<40064xf32, #tpu.memory_space<vmem>>, vector<16xf32>,
          tpu.vector_store %arg12[%swap3A_248], %mul3A_243 {strides = array<i32>} : memref<40064xf32, #tpu.memory_space<vmem>>, vector<16xf32>,
          %mul3A_250 = arith.mulf %while3A_212#6, %div3A_222 : vector<16xf32>
          %mul3A_251 = arith.constant 128 : i32
          %mul3A_252 = arith.muli %sub3A_174, %mul3A_251 : i32
          %add3A_253 = arith.constant 64 : i32
          %add3A_254 = arith.addi %mul3A_252, %add3A_253 : i32
          %swap3A_255 = arith.index_cast %add3A_254 : i32 to index
          %swap3A_256 = tpu.vector_load %arg12[%swap3A_255] {strides = array<i32>} : memref<40064xf32, #tpu.memory_space<vmem>>, vector<16xf32>,
          tpu.vector_store %arg12[%swap3A_255], %mul3A_250 {strides = array<i32>} : memref<40064xf32, #tpu.memory_space<vmem>>, vector<16xf32>,
          %mul3A_257 = arith.mulf %while3A_212#7, %div3A_222 : vector<16xf32>
          %mul3A_258 = arith.constant 128 : i32
          %mul3A_259 = arith.muli %sub3A_174, %mul3A_258 : i32
          %add3A_260 = arith.constant 80 : i32
          %add3A_261 = arith.addi %mul3A_259, %add3A_260 : i32
          %swap3A_262 = arith.index_cast %add3A_261 : i32 to index
          %swap3A_263 = tpu.vector_load %arg12[%swap3A_262] {strides = array<i32>} : memref<40064xf32, #tpu.memory_space<vmem>>, vector<16xf32>,
          tpu.vector_store %arg12[%swap3A_262], %mul3A_257 {strides = array<i32>} : memref<40064xf32, #tpu.memory_space<vmem>>, vector<16xf32>,
          %mul3A_264 = arith.mulf %while3A_212#8, %div3A_222 : vector<16xf32>
          %mul3A_265 = arith.constant 128 : i32
          %mul3A_266 = arith.muli %sub3A_174, %mul3A_265 : i32
          %add3A_267 = arith.constant 96 : i32
          %add3A_268 = arith.addi %mul3A_266, %add3A_267 : i32
          %swap3A_269 = arith.index_cast %add3A_268 : i32 to index
          %swap3A_270 = tpu.vector_load %arg12[%swap3A_269] {strides = array<i32>} : memref<40064xf32, #tpu.memory_space<vmem>>, vector<16xf32>,
          tpu.vector_store %arg12[%swap3A_269], %mul3A_264 {strides = array<i32>} : memref<40064xf32, #tpu.memory_space<vmem>>, vector<16xf32>,
          %mul3A_271 = arith.mulf %while3A_212#9, %div3A_222 : vector<16xf32>
          %mul3A_272 = arith.constant 128 : i32
          %mul3A_273 = arith.muli %sub3A_174, %mul3A_272 : i32
          %add3A_274 = arith.constant 112 : i32
          %add3A_275 = arith.addi %mul3A_273, %add3A_274 : i32
          %swap3A_276 = arith.index_cast %add3A_275 : i32 to index
          %swap3A_277 = tpu.vector_load %arg12[%swap3A_276] {strides = array<i32>} : memref<40064xf32, #tpu.memory_space<vmem>>, vector<16xf32>,
          tpu.vector_store %arg12[%swap3A_276], %mul3A_271 {strides = array<i32>} : memref<40064xf32, #tpu.memory_space<vmem>>, vector<16xf32>,
        } else {
        }
        scf.yield %while3A_212#0, %while3A_212#1, %while3A_212#2, %while3A_212#3, %while3A_212#4, %while3A_212#5, %while3A_212#6, %while3A_212#7, %while3A_212#8, %while3A_212#9 : vector<16xf32>, vector<16xf32>, vector<16xf32>, vector<16xf32>, vector<16xf32>, vector<16xf32>, vector<16xf32>, vector<16xf32>, vector<16xf32>, vector<16xf32>
      }
      %while3A_143 = arith.constant 1 : i32
      %while3A_144:10 = scf.for %while3A_145 = %while3A_140 to %while3A_136 step %while3A_143 iter_args(%while3A_146 = %while3A_142#0, %while3A_147 = %while3A_142#1, %while3A_148 = %while3A_142#2, %while3A_149 = %while3A_142#3, %while3A_150 = %while3A_142#4, %while3A_151 = %while3A_142#5, %while3A_152 = %while3A_142#6, %while3A_153 = %while3A_142#7, %while3A_154 = %while3A_142#8, %while3A_155 = %while3A_142#9) -> (vector<16xf32>, vector<16xf32>, vector<16xf32>, vector<16xf32>, vector<16xf32>, vector<16xf32>, vector<16xf32>, vector<16xf32>, vector<16xf32>, vector<16xf32>)  : i32 {
        %sub3A_156 = arith.subi %while3A_145, %multiple_of3A : i32
        %get3A_157 = arith.index_cast %sub3A_156 : i32 to index
        %get3A_158 = tpu.vector_load %arg7[%get3A_157] {strides = array<i32>} : memref<352xi32, #tpu.memory_space<vmem>>, vector<16xi32>,
        %slice3A_159 = vector.extract_strided_slice %get3A_158 {offsets = [0], sizes = [1], strides = [1]} : vector<16xi32> to vector<1xi32>
        %squeeze3A_160 = vector.extract %slice3A_159[0] : i32 from vector<1xi32>
        %slice3A_161 = vector.extract_strided_slice %get3A_158 {offsets = [1], sizes = [1], strides = [1]} : vector<16xi32> to vector<1xi32>
        %squeeze3A_162 = vector.extract %slice3A_161[0] : i32 from vector<1xi32>
        %add3A_163 = arith.addi %multiple_of3A_61, %sub3A_92 : i32
        %ge3A = arith.cmpi sge, %squeeze3A_160, %add3A_163 : i32
        %select_n3A_164 = arith.select %ge3A, %broadcast_in_dim3A_6, %while3A_146 : vector<16xf32>
        %select_n3A_165 = arith.select %ge3A, %broadcast_in_dim3A_4, %while3A_147 : vector<16xf32>
        %select_n3A_166 = arith.select %ge3A, %broadcast_in_dim3A_4, %while3A_148 : vector<16xf32>
        %select_n3A_167 = arith.select %ge3A, %broadcast_in_dim3A_4, %while3A_149 : vector<16xf32>
        %select_n3A_168 = arith.select %ge3A, %broadcast_in_dim3A_4, %while3A_150 : vector<16xf32>
        %select_n3A_169 = arith.select %ge3A, %broadcast_in_dim3A_4, %while3A_151 : vector<16xf32>
        %select_n3A_170 = arith.select %ge3A, %broadcast_in_dim3A_4, %while3A_152 : vector<16xf32>
        %select_n3A_171 = arith.select %ge3A, %broadcast_in_dim3A_4, %while3A_153 : vector<16xf32>
        %select_n3A_172 = arith.select %ge3A, %broadcast_in_dim3A_4, %while3A_154 : vector<16xf32>
        %select_n3A_173 = arith.select %ge3A, %broadcast_in_dim3A_4, %while3A_155 : vector<16xf32>
        %sub3A_174 = arith.subi %while3A_145, %mul3A_2 : i32
        %get3A_175 = arith.index_cast %sub3A_174 : i32 to index
        %get3A_176 = arith.constant 0 : index
        %get3A_177 = tpu.vector_load %arg11[%get3A_175, %get3A_176] {strides = array<i32>} : memref<320x128xf32, #tpu.memory_space<vmem>>, vector<16xf32>,
        %get3A_178 = arith.index_cast %sub3A_174 : i32 to index
        %get3A_179 = arith.constant 16 : index
        %get3A_180 = tpu.vector_load %arg11[%get3A_178, %get3A_179] {strides = array<i32>} : memref<320x128xf32, #tpu.memory_space<vmem>>, vector<16xf32>,
        %get3A_181 = arith.index_cast %sub3A_174 : i32 to index
        %get3A_182 = arith.constant 32 : index
        %get3A_183 = tpu.vector_load %arg11[%get3A_181, %get3A_182] {strides = array<i32>} : memref<320x128xf32, #tpu.memory_space<vmem>>, vector<16xf32>,
        %get3A_184 = arith.index_cast %sub3A_174 : i32 to index
        %get3A_185 = arith.constant 48 : index
        %get3A_186 = tpu.vector_load %arg11[%get3A_184, %get3A_185] {strides = array<i32>} : memref<320x128xf32, #tpu.memory_space<vmem>>, vector<16xf32>,
        %get3A_187 = arith.index_cast %sub3A_174 : i32 to index
        %get3A_188 = arith.constant 64 : index
        %get3A_189 = tpu.vector_load %arg11[%get3A_187, %get3A_188] {strides = array<i32>} : memref<320x128xf32, #tpu.memory_space<vmem>>, vector<16xf32>,
        %get3A_190 = arith.index_cast %sub3A_174 : i32 to index
        %get3A_191 = arith.constant 80 : index
        %get3A_192 = tpu.vector_load %arg11[%get3A_190, %get3A_191] {strides = array<i32>} : memref<320x128xf32, #tpu.memory_space<vmem>>, vector<16xf32>,
        %get3A_193 = arith.index_cast %sub3A_174 : i32 to index
        %get3A_194 = arith.constant 96 : index
        %get3A_195 = tpu.vector_load %arg11[%get3A_193, %get3A_194] {strides = array<i32>} : memref<320x128xf32, #tpu.memory_space<vmem>>, vector<16xf32>,
        %get3A_196 = arith.index_cast %sub3A_174 : i32 to index
        %get3A_197 = arith.constant 112 : index
        %get3A_198 = tpu.vector_load %arg11[%get3A_196, %get3A_197] {strides = array<i32>} : memref<320x128xf32, #tpu.memory_space<vmem>>, vector<16xf32>,
        %sub3A_199 = arith.subi %squeeze3A_160, %multiple_of3A_61 : i32
        %max3A_200 = arith.maxsi %sub3A_92, %sub3A_199 : i32
        %sub3A_201 = arith.subi %squeeze3A_162, %multiple_of3A_61 : i32
        %min3A_202 = arith.minsi %sub3A_99, %sub3A_201 : i32
        %while3A_203 = arith.subi %min3A_202, %max3A_200 : i32
        %while3A_204 = arith.addi %max3A_200, %while3A_203 : i32
        %while3A_205 = arith.constant 1 : i32
        %while3A_206 = arith.divsi %while3A_203, %while3A_205 : i32
        %while3A_207 = arith.muli %while3A_206, %while3A_205 : i32
        %while3A_208 = arith.addi %max3A_200, %while3A_207 : i32
        %while3A_209 = arith.constant 1 : i32
        %while3A_210:10 = scf.for %while3A_217 = %max3A_200 to %while3A_208 step %while3A_209 iter_args(%while3A_218 = %select_n3A_164, %while3A_219 = %select_n3A_165, %while3A_220 = %select_n3A_166, %while3A_221 = %select_n3A_167, %while3A_222 = %select_n3A_168, %while3A_223 = %select_n3A_169, %while3A_224 = %select_n3A_170, %while3A_225 = %select_n3A_171, %while3A_226 = %select_n3A_172, %while3A_227 = %select_n3A_173) -> (vector<16xf32>, vector<16xf32>, vector<16xf32>, vector<16xf32>, vector<16xf32>, vector<16xf32>, vector<16xf32>, vector<16xf32>, vector<16xf32>, vector<16xf32>)  : i32 {
          %get3A_228 = arith.index_cast %rem3A_56 : i32 to index
          %get3A_229 = arith.index_cast %while3A_217 : i32 to index
          %get3A_230 = arith.constant 0 : index
          %get3A_231 = tpu.vector_load %arg8[%get3A_228, %get3A_229, %get3A_230] {strides = array<i32>} : memref<2x160x128xf32, #tpu.memory_space<vmem>>, vector<16xf32>,
          %get3A_232 = arith.index_cast %rem3A_56 : i32 to index
          %get3A_233 = arith.index_cast %while3A_217 : i32 to index
          %get3A_234 = arith.constant 16 : index
          %get3A_235 = tpu.vector_load %arg8[%get3A_232, %get3A_233, %get3A_234] {strides = array<i32>} : memref<2x160x128xf32, #tpu.memory_space<vmem>>, vector<16xf32>,
          %get3A_236 = arith.index_cast %rem3A_56 : i32 to index
          %get3A_237 = arith.index_cast %while3A_217 : i32 to index
          %get3A_238 = arith.constant 32 : index
          %get3A_239 = tpu.vector_load %arg8[%get3A_236, %get3A_237, %get3A_238] {strides = array<i32>} : memref<2x160x128xf32, #tpu.memory_space<vmem>>, vector<16xf32>,
          %get3A_240 = arith.index_cast %rem3A_56 : i32 to index
          %get3A_241 = arith.index_cast %while3A_217 : i32 to index
          %get3A_242 = arith.constant 48 : index
          %get3A_243 = tpu.vector_load %arg8[%get3A_240, %get3A_241, %get3A_242] {strides = array<i32>} : memref<2x160x128xf32, #tpu.memory_space<vmem>>, vector<16xf32>,
          %get3A_244 = arith.index_cast %rem3A_56 : i32 to index
          %get3A_245 = arith.index_cast %while3A_217 : i32 to index
          %get3A_246 = arith.constant 64 : index
          %get3A_247 = tpu.vector_load %arg8[%get3A_244, %get3A_245, %get3A_246] {strides = array<i32>} : memref<2x160x128xf32, #tpu.memory_space<vmem>>, vector<16xf32>,
          %get3A_248 = arith.index_cast %rem3A_56 : i32 to index
          %get3A_249 = arith.index_cast %while3A_217 : i32 to index
          %get3A_250 = arith.constant 80 : index
          %get3A_251 = tpu.vector_load %arg8[%get3A_248, %get3A_249, %get3A_250] {strides = array<i32>} : memref<2x160x128xf32, #tpu.memory_space<vmem>>, vector<16xf32>,
          %get3A_252 = arith.index_cast %rem3A_56 : i32 to index
          %get3A_253 = arith.index_cast %while3A_217 : i32 to index
          %get3A_254 = arith.constant 96 : index
          %get3A_255 = tpu.vector_load %arg8[%get3A_252, %get3A_253, %get3A_254] {strides = array<i32>} : memref<2x160x128xf32, #tpu.memory_space<vmem>>, vector<16xf32>,
          %get3A_256 = arith.index_cast %rem3A_56 : i32 to index
          %get3A_257 = arith.index_cast %while3A_217 : i32 to index
          %get3A_258 = arith.constant 112 : index
          %get3A_259 = tpu.vector_load %arg8[%get3A_256, %get3A_257, %get3A_258] {strides = array<i32>} : memref<2x160x128xf32, #tpu.memory_space<vmem>>, vector<16xf32>,
          %mul3A_260 = arith.mulf %get3A_231, %get3A_177 : vector<16xf32>
          %mul3A_261 = arith.mulf %get3A_235, %get3A_180 : vector<16xf32>
          %add3A_262 = arith.addf %mul3A_260, %mul3A_261 : vector<16xf32>
          %mul3A_263 = arith.mulf %get3A_239, %get3A_183 : vector<16xf32>
          %mul3A_264 = arith.mulf %get3A_243, %get3A_186 : vector<16xf32>
          %add3A_265 = arith.addf %mul3A_263, %mul3A_264 : vector<16xf32>
          %mul3A_266 = arith.mulf %get3A_247, %get3A_189 : vector<16xf32>
          %mul3A_267 = arith.mulf %get3A_251, %get3A_192 : vector<16xf32>
          %add3A_268 = arith.addf %mul3A_266, %mul3A_267 : vector<16xf32>
          %mul3A_269 = arith.mulf %get3A_255, %get3A_195 : vector<16xf32>
          %mul3A_270 = arith.mulf %get3A_259, %get3A_198 : vector<16xf32>
          %add3A_271 = arith.addf %mul3A_269, %mul3A_270 : vector<16xf32>
          %add3A_272 = arith.addf %add3A_262, %add3A_265 : vector<16xf32>
          %add3A_273 = arith.addf %add3A_268, %add3A_271 : vector<16xf32>
          %add3A_274 = arith.addf %add3A_272, %add3A_273 : vector<16xf32>
          %reduce_sum3A = arith.constant true
          %reduce_sum3A_275 = vector.broadcast %reduce_sum3A : i1 to vector<16xi1>
          %reduce_sum3A_276 = tpu.scan <sum>, %add3A_274 masked %reduce_sum3A_275 : vector<16xf32>, vector<16xi1> -> vector<16xf32>
          %reduce_sum3A_277 = vector.extract %reduce_sum3A_276[15] : f32 from vector<16xf32>
          %broadcast_in_dim3A_278 = vector.broadcast %reduce_sum3A_277 : f32 to vector<16xf32>
          %max3A_279 = arith.maximumf %while3A_218, %broadcast_in_dim3A_278 : vector<16xf32>
          %sub3A_280 = arith.subf %while3A_218, %max3A_279 : vector<16xf32>
          %exp3A = math.exp %sub3A_280 : vector<16xf32>
          %sub3A_281 = arith.subf %broadcast_in_dim3A_278, %max3A_279 : vector<16xf32>
          %exp3A_282 = math.exp %sub3A_281 : vector<16xf32>
          %mul3A_283 = arith.mulf %while3A_219, %exp3A : vector<16xf32>
          %add3A_284 = arith.addf %mul3A_283, %exp3A_282 : vector<16xf32>
          %mul3A_285 = arith.mulf %while3A_220, %exp3A : vector<16xf32>
          %mul3A_286 = arith.mulf %get3A_231, %exp3A_282 : vector<16xf32>
          %add3A_287 = arith.addf %mul3A_285, %mul3A_286 : vector<16xf32>
          %mul3A_288 = arith.mulf %while3A_221, %exp3A : vector<16xf32>
          %mul3A_289 = arith.mulf %get3A_235, %exp3A_282 : vector<16xf32>
          %add3A_290 = arith.addf %mul3A_288, %mul3A_289 : vector<16xf32>
          %mul3A_291 = arith.mulf %while3A_222, %exp3A : vector<16xf32>
          %mul3A_292 = arith.mulf %get3A_239, %exp3A_282 : vector<16xf32>
          %add3A_293 = arith.addf %mul3A_291, %mul3A_292 : vector<16xf32>
          %mul3A_294 = arith.mulf %while3A_223, %exp3A : vector<16xf32>
          %mul3A_295 = arith.mulf %get3A_243, %exp3A_282 : vector<16xf32>
          %add3A_296 = arith.addf %mul3A_294, %mul3A_295 : vector<16xf32>
          %mul3A_297 = arith.mulf %while3A_224, %exp3A : vector<16xf32>
          %mul3A_298 = arith.mulf %get3A_247, %exp3A_282 : vector<16xf32>
          %add3A_299 = arith.addf %mul3A_297, %mul3A_298 : vector<16xf32>
          %mul3A_300 = arith.mulf %while3A_225, %exp3A : vector<16xf32>
          %mul3A_301 = arith.mulf %get3A_251, %exp3A_282 : vector<16xf32>
          %add3A_302 = arith.addf %mul3A_300, %mul3A_301 : vector<16xf32>
          %mul3A_303 = arith.mulf %while3A_226, %exp3A : vector<16xf32>
          %mul3A_304 = arith.mulf %get3A_255, %exp3A_282 : vector<16xf32>
          %add3A_305 = arith.addf %mul3A_303, %mul3A_304 : vector<16xf32>
          %mul3A_306 = arith.mulf %while3A_227, %exp3A : vector<16xf32>
          %mul3A_307 = arith.mulf %get3A_259, %exp3A_282 : vector<16xf32>
          %add3A_308 = arith.addf %mul3A_306, %mul3A_307 : vector<16xf32>
          scf.yield %max3A_279, %add3A_284, %add3A_287, %add3A_290, %add3A_293, %add3A_296, %add3A_299, %add3A_302, %add3A_305, %add3A_308 : vector<16xf32>, vector<16xf32>, vector<16xf32>, vector<16xf32>, vector<16xf32>, vector<16xf32>, vector<16xf32>, vector<16xf32>, vector<16xf32>, vector<16xf32>
        }
        %while3A_211 = arith.constant 1 : i32
        %while3A_212:10 = scf.for %while3A_217 = %while3A_208 to %while3A_204 step %while3A_211 iter_args(%while3A_218 = %while3A_210#0, %while3A_219 = %while3A_210#1, %while3A_220 = %while3A_210#2, %while3A_221 = %while3A_210#3, %while3A_222 = %while3A_210#4, %while3A_223 = %while3A_210#5, %while3A_224 = %while3A_210#6, %while3A_225 = %while3A_210#7, %while3A_226 = %while3A_210#8, %while3A_227 = %while3A_210#9) -> (vector<16xf32>, vector<16xf32>, vector<16xf32>, vector<16xf32>, vector<16xf32>, vector<16xf32>, vector<16xf32>, vector<16xf32>, vector<16xf32>, vector<16xf32>)  : i32 {
          %get3A_228 = arith.index_cast %rem3A_56 : i32 to index
          %get3A_229 = arith.index_cast %while3A_217 : i32 to index
          %get3A_230 = arith.constant 0 : index
          %get3A_231 = tpu.vector_load %arg8[%get3A_228, %get3A_229, %get3A_230] {strides = array<i32>} : memref<2x160x128xf32, #tpu.memory_space<vmem>>, vector<16xf32>,
          %get3A_232 = arith.index_cast %rem3A_56 : i32 to index
          %get3A_233 = arith.index_cast %while3A_217 : i32 to index
          %get3A_234 = arith.constant 16 : index
          %get3A_235 = tpu.vector_load %arg8[%get3A_232, %get3A_233, %get3A_234] {strides = array<i32>} : memref<2x160x128xf32, #tpu.memory_space<vmem>>, vector<16xf32>,
          %get3A_236 = arith.index_cast %rem3A_56 : i32 to index
          %get3A_237 = arith.index_cast %while3A_217 : i32 to index
          %get3A_238 = arith.constant 32 : index
          %get3A_239 = tpu.vector_load %arg8[%get3A_236, %get3A_237, %get3A_238] {strides = array<i32>} : memref<2x160x128xf32, #tpu.memory_space<vmem>>, vector<16xf32>,
          %get3A_240 = arith.index_cast %rem3A_56 : i32 to index
          %get3A_241 = arith.index_cast %while3A_217 : i32 to index
          %get3A_242 = arith.constant 48 : index
          %get3A_243 = tpu.vector_load %arg8[%get3A_240, %get3A_241, %get3A_242] {strides = array<i32>} : memref<2x160x128xf32, #tpu.memory_space<vmem>>, vector<16xf32>,
          %get3A_244 = arith.index_cast %rem3A_56 : i32 to index
          %get3A_245 = arith.index_cast %while3A_217 : i32 to index
          %get3A_246 = arith.constant 64 : index
          %get3A_247 = tpu.vector_load %arg8[%get3A_244, %get3A_245, %get3A_246] {strides = array<i32>} : memref<2x160x128xf32, #tpu.memory_space<vmem>>, vector<16xf32>,
          %get3A_248 = arith.index_cast %rem3A_56 : i32 to index
          %get3A_249 = arith.index_cast %while3A_217 : i32 to index
          %get3A_250 = arith.constant 80 : index
          %get3A_251 = tpu.vector_load %arg8[%get3A_248, %get3A_249, %get3A_250] {strides = array<i32>} : memref<2x160x128xf32, #tpu.memory_space<vmem>>, vector<16xf32>,
          %get3A_252 = arith.index_cast %rem3A_56 : i32 to index
          %get3A_253 = arith.index_cast %while3A_217 : i32 to index
          %get3A_254 = arith.constant 96 : index
          %get3A_255 = tpu.vector_load %arg8[%get3A_252, %get3A_253, %get3A_254] {strides = array<i32>} : memref<2x160x128xf32, #tpu.memory_space<vmem>>, vector<16xf32>,
          %get3A_256 = arith.index_cast %rem3A_56 : i32 to index
          %get3A_257 = arith.index_cast %while3A_217 : i32 to index
          %get3A_258 = arith.constant 112 : index
          %get3A_259 = tpu.vector_load %arg8[%get3A_256, %get3A_257, %get3A_258] {strides = array<i32>} : memref<2x160x128xf32, #tpu.memory_space<vmem>>, vector<16xf32>,
          %mul3A_260 = arith.mulf %get3A_231, %get3A_177 : vector<16xf32>
          %mul3A_261 = arith.mulf %get3A_235, %get3A_180 : vector<16xf32>
          %add3A_262 = arith.addf %mul3A_260, %mul3A_261 : vector<16xf32>
          %mul3A_263 = arith.mulf %get3A_239, %get3A_183 : vector<16xf32>
          %mul3A_264 = arith.mulf %get3A_243, %get3A_186 : vector<16xf32>
          %add3A_265 = arith.addf %mul3A_263, %mul3A_264 : vector<16xf32>
          %mul3A_266 = arith.mulf %get3A_247, %get3A_189 : vector<16xf32>
          %mul3A_267 = arith.mulf %get3A_251, %get3A_192 : vector<16xf32>
          %add3A_268 = arith.addf %mul3A_266, %mul3A_267 : vector<16xf32>
          %mul3A_269 = arith.mulf %get3A_255, %get3A_195 : vector<16xf32>
          %mul3A_270 = arith.mulf %get3A_259, %get3A_198 : vector<16xf32>
          %add3A_271 = arith.addf %mul3A_269, %mul3A_270 : vector<16xf32>
          %add3A_272 = arith.addf %add3A_262, %add3A_265 : vector<16xf32>
          %add3A_273 = arith.addf %add3A_268, %add3A_271 : vector<16xf32>
          %add3A_274 = arith.addf %add3A_272, %add3A_273 : vector<16xf32>
          %reduce_sum3A = arith.constant true
          %reduce_sum3A_275 = vector.broadcast %reduce_sum3A : i1 to vector<16xi1>
          %reduce_sum3A_276 = tpu.scan <sum>, %add3A_274 masked %reduce_sum3A_275 : vector<16xf32>, vector<16xi1> -> vector<16xf32>
          %reduce_sum3A_277 = vector.extract %reduce_sum3A_276[15] : f32 from vector<16xf32>
          %broadcast_in_dim3A_278 = vector.broadcast %reduce_sum3A_277 : f32 to vector<16xf32>
          %max3A_279 = arith.maximumf %while3A_218, %broadcast_in_dim3A_278 : vector<16xf32>
          %sub3A_280 = arith.subf %while3A_218, %max3A_279 : vector<16xf32>
          %exp3A = math.exp %sub3A_280 : vector<16xf32>
          %sub3A_281 = arith.subf %broadcast_in_dim3A_278, %max3A_279 : vector<16xf32>
          %exp3A_282 = math.exp %sub3A_281 : vector<16xf32>
          %mul3A_283 = arith.mulf %while3A_219, %exp3A : vector<16xf32>
          %add3A_284 = arith.addf %mul3A_283, %exp3A_282 : vector<16xf32>
          %mul3A_285 = arith.mulf %while3A_220, %exp3A : vector<16xf32>
          %mul3A_286 = arith.mulf %get3A_231, %exp3A_282 : vector<16xf32>
          %add3A_287 = arith.addf %mul3A_285, %mul3A_286 : vector<16xf32>
          %mul3A_288 = arith.mulf %while3A_221, %exp3A : vector<16xf32>
          %mul3A_289 = arith.mulf %get3A_235, %exp3A_282 : vector<16xf32>
          %add3A_290 = arith.addf %mul3A_288, %mul3A_289 : vector<16xf32>
          %mul3A_291 = arith.mulf %while3A_222, %exp3A : vector<16xf32>
          %mul3A_292 = arith.mulf %get3A_239, %exp3A_282 : vector<16xf32>
          %add3A_293 = arith.addf %mul3A_291, %mul3A_292 : vector<16xf32>
          %mul3A_294 = arith.mulf %while3A_223, %exp3A : vector<16xf32>
          %mul3A_295 = arith.mulf %get3A_243, %exp3A_282 : vector<16xf32>
          %add3A_296 = arith.addf %mul3A_294, %mul3A_295 : vector<16xf32>
          %mul3A_297 = arith.mulf %while3A_224, %exp3A : vector<16xf32>
          %mul3A_298 = arith.mulf %get3A_247, %exp3A_282 : vector<16xf32>
          %add3A_299 = arith.addf %mul3A_297, %mul3A_298 : vector<16xf32>
          %mul3A_300 = arith.mulf %while3A_225, %exp3A : vector<16xf32>
          %mul3A_301 = arith.mulf %get3A_251, %exp3A_282 : vector<16xf32>
          %add3A_302 = arith.addf %mul3A_300, %mul3A_301 : vector<16xf32>
          %mul3A_303 = arith.mulf %while3A_226, %exp3A : vector<16xf32>
          %mul3A_304 = arith.mulf %get3A_255, %exp3A_282 : vector<16xf32>
          %add3A_305 = arith.addf %mul3A_303, %mul3A_304 : vector<16xf32>
          %mul3A_306 = arith.mulf %while3A_227, %exp3A : vector<16xf32>
          %mul3A_307 = arith.mulf %get3A_259, %exp3A_282 : vector<16xf32>
          %add3A_308 = arith.addf %mul3A_306, %mul3A_307 : vector<16xf32>
          scf.yield %max3A_279, %add3A_284, %add3A_287, %add3A_290, %add3A_293, %add3A_296, %add3A_299, %add3A_302, %add3A_305, %add3A_308 : vector<16xf32>, vector<16xf32>, vector<16xf32>, vector<16xf32>, vector<16xf32>, vector<16xf32>, vector<16xf32>, vector<16xf32>, vector<16xf32>, vector<16xf32>
        }
        %add3A_213 = arith.addi %multiple_of3A_61, %sub3A_99 : i32
        %le3A = arith.cmpi sle, %squeeze3A_162, %add3A_213 : i32
        %convert_element_type3A_214 = arith.extui %le3A : i1 to i32
        %cond3A_215 = arith.constant 0 : i32
        %cond3A_216 = arith.cmpi ne, %convert_element_type3A_214, %cond3A_215 : i32
        scf.if %cond3A_216 {
          %add3A_217 = arith.constant 9.99999996E-13 : f32
          %add3A_218 = vector.broadcast %add3A_217 : f32 to vector<16xf32>
          %add3A_219 = arith.addf %while3A_212#1, %add3A_218 : vector<16xf32>
          %div3A_220 = arith.constant 1.000000e+00 : f32
          %div3A_221 = vector.broadcast %div3A_220 : f32 to vector<16xf32>
          %div3A_222 = arith.divf %div3A_221, %add3A_219 : vector<16xf32>
          %mul3A_223 = arith.mulf %while3A_212#2, %div3A_222 : vector<16xf32>
          %mul3A_224 = arith.constant 128 : i32
          %mul3A_225 = arith.muli %sub3A_174, %mul3A_224 : i32
          %add3A_226 = arith.constant 0 : i32
          %add3A_227 = arith.addi %mul3A_225, %add3A_226 : i32
          %swap3A = arith.index_cast %add3A_227 : i32 to index
          %swap3A_228 = tpu.vector_load %arg12[%swap3A] {strides = array<i32>} : memref<40064xf32, #tpu.memory_space<vmem>>, vector<16xf32>,
          tpu.vector_store %arg12[%swap3A], %mul3A_223 {strides = array<i32>} : memref<40064xf32, #tpu.memory_space<vmem>>, vector<16xf32>,
          %mul3A_229 = arith.mulf %while3A_212#3, %div3A_222 : vector<16xf32>
          %mul3A_230 = arith.constant 128 : i32
          %mul3A_231 = arith.muli %sub3A_174, %mul3A_230 : i32
          %add3A_232 = arith.constant 16 : i32
          %add3A_233 = arith.addi %mul3A_231, %add3A_232 : i32
          %swap3A_234 = arith.index_cast %add3A_233 : i32 to index
          %swap3A_235 = tpu.vector_load %arg12[%swap3A_234] {strides = array<i32>} : memref<40064xf32, #tpu.memory_space<vmem>>, vector<16xf32>,
          tpu.vector_store %arg12[%swap3A_234], %mul3A_229 {strides = array<i32>} : memref<40064xf32, #tpu.memory_space<vmem>>, vector<16xf32>,
          %mul3A_236 = arith.mulf %while3A_212#4, %div3A_222 : vector<16xf32>
          %mul3A_237 = arith.constant 128 : i32
          %mul3A_238 = arith.muli %sub3A_174, %mul3A_237 : i32
          %add3A_239 = arith.constant 32 : i32
          %add3A_240 = arith.addi %mul3A_238, %add3A_239 : i32
          %swap3A_241 = arith.index_cast %add3A_240 : i32 to index
          %swap3A_242 = tpu.vector_load %arg12[%swap3A_241] {strides = array<i32>} : memref<40064xf32, #tpu.memory_space<vmem>>, vector<16xf32>,
          tpu.vector_store %arg12[%swap3A_241], %mul3A_236 {strides = array<i32>} : memref<40064xf32, #tpu.memory_space<vmem>>, vector<16xf32>,
          %mul3A_243 = arith.mulf %while3A_212#5, %div3A_222 : vector<16xf32>
          %mul3A_244 = arith.constant 128 : i32
          %mul3A_245 = arith.muli %sub3A_174, %mul3A_244 : i32
          %add3A_246 = arith.constant 48 : i32
          %add3A_247 = arith.addi %mul3A_245, %add3A_246 : i32
          %swap3A_248 = arith.index_cast %add3A_247 : i32 to index
          %swap3A_249 = tpu.vector_load %arg12[%swap3A_248] {strides = array<i32>} : memref<40064xf32, #tpu.memory_space<vmem>>, vector<16xf32>,
          tpu.vector_store %arg12[%swap3A_248], %mul3A_243 {strides = array<i32>} : memref<40064xf32, #tpu.memory_space<vmem>>, vector<16xf32>,
          %mul3A_250 = arith.mulf %while3A_212#6, %div3A_222 : vector<16xf32>
          %mul3A_251 = arith.constant 128 : i32
          %mul3A_252 = arith.muli %sub3A_174, %mul3A_251 : i32
          %add3A_253 = arith.constant 64 : i32
          %add3A_254 = arith.addi %mul3A_252, %add3A_253 : i32
          %swap3A_255 = arith.index_cast %add3A_254 : i32 to index
          %swap3A_256 = tpu.vector_load %arg12[%swap3A_255] {strides = array<i32>} : memref<40064xf32, #tpu.memory_space<vmem>>, vector<16xf32>,
          tpu.vector_store %arg12[%swap3A_255], %mul3A_250 {strides = array<i32>} : memref<40064xf32, #tpu.memory_space<vmem>>, vector<16xf32>,
          %mul3A_257 = arith.mulf %while3A_212#7, %div3A_222 : vector<16xf32>
          %mul3A_258 = arith.constant 128 : i32
          %mul3A_259 = arith.muli %sub3A_174, %mul3A_258 : i32
          %add3A_260 = arith.constant 80 : i32
          %add3A_261 = arith.addi %mul3A_259, %add3A_260 : i32
          %swap3A_262 = arith.index_cast %add3A_261 : i32 to index
          %swap3A_263 = tpu.vector_load %arg12[%swap3A_262] {strides = array<i32>} : memref<40064xf32, #tpu.memory_space<vmem>>, vector<16xf32>,
          tpu.vector_store %arg12[%swap3A_262], %mul3A_257 {strides = array<i32>} : memref<40064xf32, #tpu.memory_space<vmem>>, vector<16xf32>,
          %mul3A_264 = arith.mulf %while3A_212#8, %div3A_222 : vector<16xf32>
          %mul3A_265 = arith.constant 128 : i32
          %mul3A_266 = arith.muli %sub3A_174, %mul3A_265 : i32
          %add3A_267 = arith.constant 96 : i32
          %add3A_268 = arith.addi %mul3A_266, %add3A_267 : i32
          %swap3A_269 = arith.index_cast %add3A_268 : i32 to index
          %swap3A_270 = tpu.vector_load %arg12[%swap3A_269] {strides = array<i32>} : memref<40064xf32, #tpu.memory_space<vmem>>, vector<16xf32>,
          tpu.vector_store %arg12[%swap3A_269], %mul3A_264 {strides = array<i32>} : memref<40064xf32, #tpu.memory_space<vmem>>, vector<16xf32>,
          %mul3A_271 = arith.mulf %while3A_212#9, %div3A_222 : vector<16xf32>
          %mul3A_272 = arith.constant 128 : i32
          %mul3A_273 = arith.muli %sub3A_174, %mul3A_272 : i32
          %add3A_274 = arith.constant 112 : i32
          %add3A_275 = arith.addi %mul3A_273, %add3A_274 : i32
          %swap3A_276 = arith.index_cast %add3A_275 : i32 to index
          %swap3A_277 = tpu.vector_load %arg12[%swap3A_276] {strides = array<i32>} : memref<40064xf32, #tpu.memory_space<vmem>>, vector<16xf32>,
          tpu.vector_store %arg12[%swap3A_276], %mul3A_271 {strides = array<i32>} : memref<40064xf32, #tpu.memory_space<vmem>>, vector<16xf32>,
        } else {
        }
        scf.yield %while3A_212#0, %while3A_212#1, %while3A_212#2, %while3A_212#3, %while3A_212#4, %while3A_212#5, %while3A_212#6, %while3A_212#7, %while3A_212#8, %while3A_212#9 : vector<16xf32>, vector<16xf32>, vector<16xf32>, vector<16xf32>, vector<16xf32>, vector<16xf32>, vector<16xf32>, vector<16xf32>, vector<16xf32>, vector<16xf32>
      }
      scf.yield %while3A_144#0, %while3A_144#1, %while3A_144#2, %while3A_144#3, %while3A_144#4, %while3A_144#5, %while3A_144#6, %while3A_144#7, %while3A_144#8, %while3A_144#9 : vector<16xf32>, vector<16xf32>, vector<16xf32>, vector<16xf32>, vector<16xf32>, vector<16xf32>, vector<16xf32>, vector<16xf32>, vector<16xf32>, vector<16xf32>
    }
    %mul3A_41 = arith.constant 40064 : i32
    %mul3A_42 = arith.muli %add3A, %mul3A_41 : i32
    %multiple_of3A_43 = tpu.assume_multiple %mul3A_42, 8 : i32
    "tpu.region"() ({
      %run_scoped3A = tpu.sem_alloc : memref<!tpu.dma_semaphore, #tpu.memory_space<semaphore_mem>>
      %dma_start3A = tpu.memref_slice %arg6[%multiple_of3A_43] : memref<1282048xf32, #tpu.memory_space<hbm>> -> memref<40064xf32, #tpu.memory_space<hbm>>
      %dma_start3A_44 = tpu.memref_slice %arg6[%multiple_of3A_43] : memref<1282048xf32, #tpu.memory_space<hbm>> -> memref<40064xf32, #tpu.memory_space<hbm>>
      tpu.enqueue_dma source(%arg12 : memref<40064xf32, #tpu.memory_space<vmem>>) target(%dma_start3A_44 : memref<40064xf32, #tpu.memory_space<hbm>>) target_semaphore(%run_scoped3A : memref<!tpu.dma_semaphore, #tpu.memory_space<semaphore_mem>>)
      %dma_wait3A = tpu.memref_slice %arg6[%multiple_of3A_43] : memref<1282048xf32, #tpu.memory_space<hbm>> -> memref<40064xf32, #tpu.memory_space<hbm>>
      %dma_wait3A_45 = tpu.memref_slice %arg6[%multiple_of3A_43] : memref<1282048xf32, #tpu.memory_space<hbm>> -> memref<40064xf32, #tpu.memory_space<hbm>>
      tpu.wait_dma2 semaphore(%run_scoped3A : memref<!tpu.dma_semaphore, #tpu.memory_space<semaphore_mem>>) src(%arg12 : memref<40064xf32, #tpu.memory_space<vmem>>) dst(%dma_wait3A_45 : memref<40064xf32, #tpu.memory_space<hbm>>)
      tpu.yield
    }) : () -> ()
    return
  }
}

</mosaic_0001>

<sc_bundles>
// kernel: kernel.3.cloned.1.call-start
scs
__scs_entry_jumppad:
0x0: {  	(pc) =	sbr.rel $0x88, $3  }
0x1: {  	(tag) =	ssettag $0x0;
	lr =	simm.s32 $0x1  }
0x2: {  	[smem:$0x3F9E] =	sst lr;
	_ =	strace $0xD0000000  }
0x3: {  	_ = 	snop  }
0x4: {  	_ = 	snop  }
0x5: {  	_ = 	snop  }
0x6: {  	_ = 	snop  }
0x7: {  	_ = 	snop  }
__scs_overlays_trampoline_lowered:
0x8: {  	[smem:$0x3FAD] =	sst s0  }
0x9: {  	[smem:$0x3FAE] =	sst s1  }
0xa: {  	[smem:$0x3FAF] =	sst s2  }
0xb: {  	[smem:$0x3FB0] =	sst s3  }
0xc: {  	[smem:$0x3FB1] =	sst s4  }
0xd: {  	[smem:$0x3FB2] =	sst s5  }
0xe: {  	[smem:$0x3FB3] =	sst s6  }
0xf: {  	[smem:$0x3FB4] =	sst s7  }
0x10: {  	[smem:$0x3FB5] =	sst s8  }
0x11: {  	[smem:$0x3FB6] =	sst s9;
	s0 =	simm.s32 @!p0 $0x0  }
0x12: {  	s1 =	sld [smem:$0x3F9C];
	s0 =	simm.s32 @p0 $0x1  }
0x13: {  	[smem:$0x3FB7] =	sst s0;
	s0 =	simm.s32 @!p1 $0x0  }
0x14: {  	s2 =	sld [smem:$0x3F9B];
	s0 =	simm.s32 @p1 $0x1  }
0x15: {  	[smem:$0x3FB8] =	sst s0;
	s0 =	simm.s32 @!p2 $0x0  }
0x16: {  	s3 =	sld [smem:$0x3FDB];
	s0 =	simm.s32 @p2 $0x1  }
0x17: {  	s4 =	simm.s32 $0x1BF5;
	[smem:$0x3FBA] =	sst s0  }
0x18: {  	s0 =	sld [smem:$0x3F9D];
	_ =	swait.ge [sflag:s4], $0x0  }
0x19: {  	s7 =	sld [smem:$0x3F9E]  }
0x1a: {  	s8 =	sadd.s32 $0xFFFFE003, lr  }
0x1b: {  	s9 =	sadd.s32 $0xFFFFFEF7, lr;
	s5 =	simm.s32 $0xFFFFFFFF;
	p2 =	slt.u32 s8, $0xFFFFF086  }
0x1c: {  	p1 =	slt.u32 s9, $0xF7A;
	s5 =	simm.s32 @!p2 $0x0  }
0x1d: {  	s5 =	simm.s32 @p1 $0x1;
	p0 =	seq.s32 s7, s2  }
0x1e: {  	s7 =	smul.u32 @!p0 $0xF7A, s2;
	p2 =	seq.s32 @!p0 s5, $0x0  }
0x1f: {  	s9 =	smul.u32 $0xF7A, s1;
	s8 =	simm.s32 @!p0 $0x1BF5;
	p2 =	por !p2, p0  }
0x20: {  	[sflag:s8] =	ssyncset.s32 @!p0 $0xFFFFF086;
	s6 =	sadd.s32 @!p0 s3, s7;
	s7 =	simm.s32 @!p0 $0x108  }
0x21: {  	s3 =	sadd.s32 s3, s9;
	s6 =	sadd.s32 @!p0 $0x88, s6;
	s7 =	simm.s32 @p2 $0x1082  }
0x22: {  	[simem:s7], [sflag:s8] =	dma.local @!p0 [hbm:s6], $0xF7A  }
0x23: {  	s9 =	sor.u32 $0xD0000000, s2;
	s6 =	simm.s32 $0x108;
	_ =	swait.ge @!p0 [sflag:s8], $0x0  }
0x24: {  	s3 =	sadd.s32 $0x88, s3;
	s6 =	simm.s32 @!p1 $0x1082;
	[sflag:s4] =	ssyncset.s32 $0xFFFFF086  }
0x25: {  	[simem:s6], [sflag:s4] =	dma.local [hbm:s3], $0xF7A  }
0x26: {  	[smem:$0x3F9E] =	sst s1;
	(tag) =	ssettag s2;
	_ =	strace s9  }
0x27: {  	s1 =	sld [smem:$0x3FAE]  }
0x28: {  	s2 =	sld [smem:$0x3FAF]  }
0x29: {  	s4 =	sld [smem:$0x3FB1]  }
0x2a: {  	p0 =	seq.s32 s5, $0x0;
	s5 =	sld [smem:$0x3FB2]  }
0x2b: {  	s6 =	sld [smem:$0x3FB3]  }
0x2c: {  	s7 =	sld [smem:$0x3FB4]  }
0x2d: {  	s3 =	simm.s32 $0x108;
	s8 =	sld [smem:$0x3FB5]  }
0x2e: {  	s3 =	simm.s32 @!p0 $0x1082;
	s9 =	sld [smem:$0x3FB6]  }
0x2f: {  	lr =	sadd.s32 s0, s3;
	s0 =	sld [smem:$0x3FAD]  }
0x30: {  	s3 =	sld [smem:$0x3FB0]  }
0x31: {  	[smem:$0x3FB9] =	sst s10  }
0x32: {  	s10 =	sld [smem:$0x3FB7];
	_ =	sdelay $0x3  }
0x33: {  	p0 =	seq.s32 s10, $0x1;
	s10 =	sld [smem:$0x3FB9];
	_ =	sdelay $0x3  }
0x34: {  	[smem:$0x3FB9] =	sst s10  }
0x35: {  	s10 =	sld [smem:$0x3FB8];
	_ =	sdelay $0x3  }
0x36: {  	p1 =	seq.s32 s10, $0x1;
	s10 =	sld [smem:$0x3FB9];
	_ =	sdelay $0x3  }
0x37: {  	[smem:$0x3FB9] =	sst s10  }
0x38: {  	s10 =	sld [smem:$0x3FBA]  }
0x39: {  	_ = 	snop;
	(pc) =	sbr.ind lr, $3  }
0x3a: {  	_ = 	snop  }
0x3b: {  	_ = 	snop  }
0x3c: {  	p2 =	seq.s32 s10, $0x1;
	s10 =	sld [smem:$0x3FB9]  }
0x3d: {  	_ =	shalt  }
0x3e: {  	_ =	shalt  }
0x3f: {  	_ =	shalt  }
0x40: {  	_ =	shalt  }
0x41: {  	_ =	shalt  }
0x42: {  	_ =	shalt  }
0x43: {  	_ =	shalt  }
0x44: {  	_ =	shalt  }
0x45: {  	_ =	shalt  }
0x46: {  	_ =	shalt  }
0x47: {  	_ =	shalt  }
0x48: {  	_ =	shalt  }
0x49: {  	_ =	shalt  }
0x4a: {  	_ =	shalt  }
0x4b: {  	_ =	shalt  }
0x4c: {  	_ =	shalt  }
0x4d: {  	_ =	shalt  }
0x4e: {  	_ =	shalt  }
0x4f: {  	_ =	shalt  }
0x50: {  	_ =	shalt  }
0x51: {  	_ =	shalt  }
0x52: {  	_ =	shalt  }
0x53: {  	_ =	shalt  }
0x54: {  	_ =	shalt  }
0x55: {  	_ =	shalt  }
0x56: {  	_ =	shalt  }
0x57: {  	_ =	shalt  }
0x58: {  	_ =	shalt  }
0x59: {  	_ =	shalt  }
0x5a: {  	_ =	shalt  }
0x5b: {  	_ =	shalt  }
0x5c: {  	_ =	shalt  }
0x5d: {  	_ =	shalt  }
0x5e: {  	_ =	shalt  }
0x5f: {  	_ =	shalt  }
0x60: {  	_ =	shalt  }
0x61: {  	_ =	shalt  }
0x62: {  	_ =	shalt  }
0x63: {  	_ =	shalt  }
0x64: {  	_ =	shalt  }
0x65: {  	_ =	shalt  }
0x66: {  	_ =	shalt  }
0x67: {  	_ =	shalt  }
0x68: {  	_ =	shalt  }
0x69: {  	_ =	shalt  }
0x6a: {  	_ =	shalt  }
0x6b: {  	_ =	shalt  }
0x6c: {  	_ =	shalt  }
0x6d: {  	_ =	shalt  }
0x6e: {  	_ =	shalt  }
0x6f: {  	_ =	shalt  }
0x70: {  	_ =	shalt  }
0x71: {  	_ =	shalt  }
0x72: {  	_ =	shalt  }
0x73: {  	_ =	shalt  }
0x74: {  	_ =	shalt  }
0x75: {  	_ =	shalt  }
0x76: {  	_ =	shalt  }
0x77: {  	_ =	shalt  }
0x78: {  	_ =	shalt  }
0x79: {  	_ =	shalt  }
0x7a: {  	_ =	shalt  }
0x7b: {  	_ =	shalt  }
0x7c: {  	_ =	shalt  }
0x7d: {  	_ =	shalt  }
0x7e: {  	_ =	shalt  }
0x7f: {  	_ =	shalt  }
0x80: {  	_ =	shalt  }
0x81: {  	_ =	shalt  }
0x82: {  	_ =	shalt  }
0x83: {  	_ =	shalt  }
0x84: {  	_ =	shalt  }
0x85: {  	_ =	shalt  }
0x86: {  	_ =	shalt  }
0x87: {  	_ =	shalt  }
.Lfunc_end0:
.L_simem_size_0:
called_computation_lowered:
.L_overlay_start_0:
0x88: {  	s2 =	sld [smem:$0x3FD9]  }
0x89: {  	s3 =	sld [smem:$0x3FFE];
	_ =	sdelay $0x1  }
0x8a: {  	s1 =	srdreg.scid  }
0x8b: {  	s0 =	sand.u32 $0x1, s1  }
0x8c: {  	s17 =	sshll.u32 s0, $0xA;
	s2 =	sadd.s32 s3, s2  }
0x8d: {  	s2 =	sadd.s32 s2, s17  }
0x8e: {  	[smem:$0x3FC5] =	sst s2  }
0x8f: {  	_ = 	snop  }
0x90: {  	s2 =	sld [smem:$0x3FC9]  }
0x91: {  	s18 =	sld [smem:$0x3FC8]  }
0x92: {  	s4 =	sld [smem:$0x3FD0];
	(tm) =	ssettm $0x1  }
0x93: {  	s5 =	sld [smem:$0x3FFB];
	_ =	sdelay $0x3  }
0x94: {  	_ =	strace s5  }
0x95: {  	s5 =	sld [smem:$0x3FFC];
	_ =	sdelay $0x3  }
0x96: {  	_ =	strace s5  }
0x97: {  	s5 =	sld [smem:$0x3FFD];
	_ =	sdelay $0x3  }
0x98: {  	_ =	strace s5  }
0x99: {  	_ =	strace $0x8FFFFFFF  }
0x9a: {  	s19 =	sld [smem:$0x3FDB];
	_ =	sdelay $0x1  }
0x9b: {  	s6 =	simm.s32 $_scs_section_size  }
0x9c: {  	s7 =	simm.s32 $_size__tile_overlayer_lowered;
	s8 =	simm.s32 $_tile_overlayer_lowered  }
0x9d: {  	s22 =	simm.s32 $0x1BFF;
	s21 =	sshll.u32 s8, $0x1;
	s5 =	sadd.s32 s6, s19  }
0x9e: {  	s9 =	simm.s32 $0x0;
	s20 =	sshll.u32 s7, $0x1;
	s7 =	sadd.s32 s21, s5  }
0x9f: {  	[timem:s9], [sflag:s22] =	dma.local [hbm:s7], s20  }
0xa0: {  	_ =	swait.ge [sflag:s22], s20  }
0xa1: {  	s6 =	ssub.s32 $0x0, s20;
	[sflag:s22] =	ssyncset.done $0x0  }
0xa2: {  	[sflag:s22] =	ssyncadd.s32 s6;
	_ =	sdelay $0x1  }
0xa3: {  	s23 =	simm.s32 $0x1B8B  }
0xa4: {  	_ =	swait.ge [sflag:s23], $0x1  }
0xa5: {  	[sflag:s23] =	ssyncset.done $0x0  }
0xa6: {  	s25 =	simm.s32 $0x1B8E;
	s24 =	sld [smem:$0x3FFE];
	[sflag:s23] =	ssyncadd.s32 $0xFFFFFFFF  }
0xa7: {  	s26 =	simm.s32 $execute0_lowered;
	[smem:$0x3FD2] =	sst s25  }
0xa8: {  	s7 =	sshll.u32 s26, $0x1;
	_ =	strace $0x80000046;
	[dreg:$0x1] =	wrdreg $0xFFFFFFFF  }
0xa9: {  	s28 =	simm.s32 $_size_execute0_lowered;
	s5 =	sadd.s32 s5, s7;
	[dreg:$0x0] =	wrdreg $0x0  }
0xaa: {  	s7 =	sshll.u32 s28, $0x1;
	[dreg:$0x2] =	wrdreg s5  }
0xab: {  	[dreg:$0x3] =	wrdreg s7  }
0xac: {  	[dreg:$0x4] =	wrdreg $0xC0  }
0xad: {  	_ =	task [dreg:s9], $0x5FFFF  }
0xae: {  	[dreg:$0x1] =	wrdreg $0xFFFFFFFF  }
0xaf: {  	[dreg:$0x0] =	wrdreg $0x60  }
0xb0: {  	[dreg:$0x2] =	wrdreg s2  }
0xb1: {  	[dreg:$0x3] =	wrdreg s18  }
0xb2: {  	[dreg:$0x4] =	wrdreg s24  }
0xb3: {  	[dreg:$0x5] =	wrdreg s4  }
0xb4: {  	[dreg:$0x6] =	wrdreg $0x9  }
0xb5: {  	_ =	task.clear_ibuf [dreg:s9], $0x7FFFF;
	_ =	strace $0x90000046  }
0xb6: {  	s29 =	simm.s32 $0x9;
	_ =	strace $0x80000048  }
0xb7: {  	_ =	swait.ge [sflag:s29], $0x1  }
0xb8: {  	[sflag:s29] =	ssyncadd.s32 $0xFFFFFFFF  }
0xb9: {  	_ =	strace $0x90000048  }
0xba: {  	_ =	sfence  }
0xbb: {  	s30 =	sld [smem:$0x0];
	_ =	sdelay $0x2  }
0xbc: {  	s31 =	sshll.u32 s1, $0xD;
	s1 =	sshrl.u32 s1, $0x2  }
0xbd: {  	s3 =	sand.u32 $0x4000, s31;
	s1 =	sadd.s32 s1, s30  }
0xbe: {  	s0 =	sor.u32 s3, s0;
	s1 =	sshll.u32 s1, $0x11  }
0xbf: {  	s0 =	sor.u32 s1, s0  }
0xc0: {  	s0 =	sadd.s32 $0x8F2B, s0  }
0xc1: {  	[sflag:s0] =	ssyncadd.remote.s32 $0x1  }
0xc2: {  	_ =	sfence.sel $0xFFFF  }
0xc3: {  	[dreg:$0x0] =	wrdreg $0xFFFFFFFF;
	(pc) =	sbr.abs _section_cstart, $3  }
0xc4: {  	[dreg:$0x1] =	wrdreg $0xFFFFFFFF  }
0xc5: {  	_ =	task.clear_ibuf [dreg:s9], $0x2FFFF;
	_ =	strace $0x9FFFFFFF  }
0xc6: {  	(tm) =	ssettm $0x7FFFFFFF  }
0xc7: {  	_ =	shalt  }
tec
execute0_lowered:
.L_overlay_start_1:
0x0: {  	(tag) =	ssettag $0x1  }
0x1: {  	s1 =	rddreg [dreg:$0x0];
	s0 =	srdreg.scid  }
0x2: {  	s3 =	stileid.u32;
	s2 =	rddreg [dreg:$0x1]  }
0x3: {  	s6 =	rddreg [dreg:$0x2];
	s0 =	sand.u32 $0x1, s0;
	s3 =	sshll.u32 s3, $0x1  }
0x4: {  	s8 =	rddreg [dreg:$0x3];
	s4 =	simm.s32 $0x0;
	s3 =	sor.u32 s0, s3  }
0x5: {  	s12 =	simm.s32 $0x5;
	s0 =	ssub.s32 $0x2, s0;
	s7 =	smul.u32 $0x1400, s3  }
0x6: {  	[smem:$0x7FF] =	sst s4;
	s5 =	smul.u32 $0x139, s3;
	s30 =	sshrl.u32 s0, $0x1  }
0x7: {  	_ =	strace $0x80000047;
	s9 =	smul.u32 $0x1390, s3;
	s0 =	ssub.s32 s0, s30  }
.Ltmp0:
0x8: {  	s10 =	sshrl.u32 s5, $0x3;
	s0 =	smax.u32 s0, $0x1;
	(pc) =	sbr.rel .LBB2_1-.Ltmp0, $4  }
0x9: {  	s29 =	sadd.s32 s7, s6;
	s8 =	sadd.s32 s8, s10;
	[dreg:$0x8] =	wrdreg s0  }
0xa: {  	s9 =	sadd.s32 s9, s6;
	s3 =	sadd.s32 $0xA00, s29;
	[dreg:$0x5] =	wrdreg s8  }
0xb: {  	s17 =	simm.s32 $0x0;
	s31 =	sadd.s32 $0x28A00, s9;
	[dreg:$0x6] =	wrdreg s3  }
0xc: {  	v0 =	vimm.f32 $0.0e+00;
	s6 =	sand.u32 $0x7, s5;
	s7 =	sand.u32 $0x3FF8, s5;
	[dreg:$0x7] =	wrdreg s31  }
.LBB2_21:
0xd: {  	s0 =	rddreg [dreg:$0x7];
	s3 =	simm.s32 $0x14380  }
0xe: {  	[hbm4b:s0+s4] =	stream.linear.scatter [tilespmem:s3], [sflag:$0x5], $0x9C80, $0x38;
	[tilespmem:$0x1E000] =	vst v63  }
0xf: {  	_ =	swait.ge [sflag:s12], $0x9C80  }
0x10: {  	s17 =	sadd.s32 $0x1, s17;
	s31 =	rddreg [dreg:$0x8]  }
0x11: {  	p0 =	sne.s32 s17, s31  }
.Ltmp1:
0x12: {  	_ = 	snop;
	(pc) =	sbr.rel @!p0 .LBB2_22-.Ltmp1, $3  }
0x13: {  	_ =	sdelay $0x1  }
0x14: {  	[sflag:s12] =	ssyncset.done $0x0  }
0x15: {  	v0 =	vimm.f32 $0.0e+00;
	[sflag:s12] =	ssyncadd.s32 $0xFFFF6380  }
.LBB2_1:
0x16: {  	s0 =	rddreg [dreg:$0x5]  }
0x17: {  	[tilespmem:s4], [sflag:$0x5] =	stream.linear.gather [hbm4b:s0+s4], $0x160, $0x38;
	[tilespmem:$0x1E000] =	vst v63  }
0x18: {  	_ =	swait.ge [sflag:s12], $0x160  }
0x19: {  	[sflag:s12] =	ssyncset.done $0x0  }
0x1a: {  	s3 =	simm.s32 $0xA380;
	s31 =	rddreg [dreg:$0x6];
	[sflag:s12] =	ssyncadd.s32 $0xFFFFFEA0  }
0x1b: {  	[tilespmem:s3], [sflag:$0x5] =	stream.linear.gather [hbm4b:s31+s4], $0xA000, $0x38;
	[tilespmem:$0x1E000] =	vst v63  }
0x1c: {  	_ =	swait.ge [sflag:s12], $0xA000  }
0x1d: {  	[sflag:s12] =	ssyncset.done $0x0  }
0x1e: {  	s0 =	simm.s32 $0x40;
	s3 =	simm.s32 $0x0;
	[sflag:s12] =	ssyncadd.s32 $0xFFFF6000  }
.LBB2_2:
0x1f: {  	p0 =	sne.s32 s0, $0x271C0;
	[tilespmem:s3+$0x14380] =	vst v0;
	s3 =	smov.u32 s0;
	s0 =	sadd.s32 $0x40, s0  }
.Ltmp2:
0x20: {  	(pc) =	sbr.rel @p0 .LBB2_2-.Ltmp2, $2  }
0x21: {  	_ =	sdelay $0x2  }
0x22: {  	s3 =	sshra.s32 s3, $0x2  }
0x23: {  	[tilespmem:s3+$0x14380] =	vst v0  }
0x24: {  	v0 =	vld [tilespmem:s6+$0x0];
	_ =	sdelay $0x3  }
0x25: {  	v1 =	vld [tilespmem:s6+$0x139]  }
0x26: {  	(v2sf) =	vpush v0, $0x0;
	_ =	sdelay $0x3  }
0x27: {  	(v2sf) =	vpush v1, $0x0;
	_ =	sdelay $0xa  }
0x28: {  	s18 =	spop (v2sf)  }
0x29: {  	s0 =	sshra.s32 s18, $0x1F  }
0x2a: {  	s0 =	sshrl.u32 s0, $0x1D  }
0x2b: {  	s0 =	sadd.s32 s0, s18  }
0x2c: {  	s19 =	spop (v2sf);
	s20 =	sand.u32 $0xFFFFFFF8, s0  }
0x2d: {  	s0 =	ssub.s32 s19, s20  }
0x2e: {  	s0 =	sadd.s32 $0x9F, s0  }
0x2f: {  	p0 =	slt.s32 s0, $0xA0  }
.Ltmp3:
0x30: {  	_ = 	snop;
	(pc) =	sbr.rel @p0 .LBB2_21-.Ltmp3, $1  }
0x31: {  	_ =	sdelay $0x3  }
0x32: {  	p0 =	slt.s32 s20, $0x4E160;
	s3 =	smov.u32 s20  }
0x33: {  	s21 =	simm.s32 $0x0;
	s28 =	smulhi.u32 $0x66666667, s0;
	s29 =	sshra.s32 s0, $0x1F  }
0x34: {  	s9 =	simm.s32 $0x180;
	s3 =	simm.s32 @!p0 $0x4E160;
	s0 =	smul.u32 $0x66666667, s29  }
0x35: {  	s30 =	simm.s32 $0xA180;
	s23 =	smov.u32 s20;
	s8 =	sshll.u32 s3, $0x4  }
.Ltmp4:
0x36: {  	s8 =	sadd.s32 s1, s8;
	s0 =	sadd.s32 s0, s28;
	(pc) =	sbr.rel .LBB2_6-.Ltmp4, $4  }
0x37: {  	v19 =	vimm.f32 $-3.000000010e+38;
	[tilespmem:s9], [sflag:$0x1] =	stream.linear.gather [hbm4b:s8+s21], $0x5000, $0x38;
	[tilespmem:$0x1E000] =	vst v63  }
0x38: {  	v59 =	vimm.f32 $0.0e+00;
	v57 =	vimm.f32 $0.0e+00;
	v5 =	vimm.f32 $0.0e+00;
	s3 =	sshrl.u32 s3, $0x3;
	s31 =	sshrl.u32 s0, $0x1F;
	s0 =	sshra.s32 s0, $0x6  }
0x39: {  	v58 =	vimm.f32 $0.0e+00;
	v1 =	vimm.f32 $0.0e+00;
	v0 =	vimm.f32 $0.0e+00;
	p0 =	por $0x0, $0x0;
	s3 =	sadd.s32 s2, s3;
	s22 =	sadd.s32 s31, s0  }
0x3a: {  	v61 =	vimm.f32 $0.0e+00;
	v8 =	vimm.f32 $0.0e+00;
	v24 =	vimm.f32 $0.0e+00;
	[tilespmem:s30], [sflag:$0x3] =	stream.linear.gather [hbm4b:s3+s21], $0xA0, $0x38;
	[tilespmem:$0x1E000] =	vst v63  }
.LBB2_5:
0x3b: {  	p1 =	seq.s32 s21, s22  }
.Ltmp5:
0x3c: {  	_ = 	snop;
	(pc) =	sbr.rel @p1 .LBB2_21-.Ltmp5, $2  }
0x3d: {  	_ =	sdelay $0x2  }
0x3e: {  	p0 =	por !p0, !p0;
	s23 =	sadd.s32 $0xA0, s23  }
.LBB2_6:
0x3f: {  	s0 =	sand.u32 $0x1, s21;
	s3 =	smul.u32 $0xA0, s21;
	s21 =	sadd.s32 $0x1, s21  }
0x40: {  	p2 =	sge.s32 s21, s22;
	p4 =	seq.s32 s0, $0x1  }
0x41: {  	p3 =	por !p4, p2  }
0x42: {  	s8 =	smul.u32 @!p3 $0xA0, s21  }
0x43: {  	p1 =	seq.s32 s0, $0x0;
	s0 =	simm.s32 $0x1  }
0x44: {  	s0 =	simm.s32 @!p1 $0x2;
	s8 =	sadd.s32 @!p3 s20, s8  }
0x45: {  	_ =	swait.ge [sflag:s0], $0x5000;
	p5 =	slt.s32 @!p3 s8, $0x4E160  }
0x46: {  	s9 =	simm.s32 $0x3;
	[sflag:s0] =	ssyncset.done $0x0;
	p4 =	por @!p2 !p5, !p4  }
0x47: {  	s9 =	simm.s32 @!p1 $0x4;
	[sflag:s0] =	ssyncadd.s32 $0xFFFFB000;
	p4 =	por !p4, p2  }
0x48: {  	_ =	swait.ge [sflag:s9], $0xA0;
	s8 =	simm.s32 @!p4 $0x4E160  }
0x49: {  	s13 =	simm.s32 @!p3 $0x180;
	[sflag:s9] =	ssyncset.done $0x0;
	s0 =	sshll.u32 @!p3 s8, $0x4  }
0x4a: {  	[sflag:s9] =	ssyncadd.s32 $0xFFFFFF60;
	s9 =	simm.s32 @!p3 $0x0;
	s0 =	sadd.s32 @!p3 s1, s0  }
0x4b: {  	[tilespmem:s13], [sflag:$0x1] =	stream.linear.gather @!p3 [hbm4b:s0+s9], $0x5000, $0x38;
	[tilespmem:$0x1E000] =	vst v63  }
0x4c: {  	s25 =	sand.u32 $0x1, s21;
	s26 =	smul.u32 $0xA0, s21;
	s0 =	sshrl.u32 @!p3 s8, $0x3  }
0x4d: {  	p4 =	seq.s32 s25, $0x1;
	s8 =	simm.s32 @!p3 $0xA180;
	s0 =	sadd.s32 @!p3 s2, s0  }
0x4e: {  	[tilespmem:s8], [sflag:$0x3] =	stream.linear.gather @!p3 [hbm4b:s0+s9], $0xA0, $0x38;
	[tilespmem:$0x1E000] =	vst v63  }
0x4f: {  	s24 =	sadd.s32 s20, s26;
	p3 =	por !p4, p2  }
0x50: {  	p5 =	slt.s32 @!p3 s24, $0x4E160  }
0x51: {  	p4 =	por @!p2 !p5, !p4  }
0x52: {  	s0 =	smov.u32 s24;
	p2 =	por !p4, p2  }
0x53: {  	s0 =	simm.s32 @!p2 $0x4E160  }
0x54: {  	s9 =	simm.s32 @!p3 $0x0;
	s8 =	sshll.u32 @!p3 s0, $0x4  }
0x55: {  	s13 =	simm.s32 @!p3 $0x5180;
	s0 =	sshrl.u32 @!p3 s0, $0x3;
	s8 =	sadd.s32 @!p3 s1, s8  }
0x56: {  	[tilespmem:s13], [sflag:$0x2] =	stream.linear.gather @!p3 [hbm4b:s8+s9], $0x5000, $0x38;
	[tilespmem:$0x1E000] =	vst v63  }
0x57: {  	s25 =	sadd.s32 s20, s3;
	s3 =	simm.s32 @!p3 $0xA280;
	s0 =	sadd.s32 @!p3 s2, s0  }
0x58: {  	[tilespmem:s3], [sflag:$0x4] =	stream.linear.gather @!p3 [hbm4b:s0+s9], $0xA0, $0x38;
	[tilespmem:$0x1E000] =	vst v63  }
0x59: {  	s26 =	smov.u32 s25;
	p2 =	slt.s32 s25, $0x4E160;
	p3 =	slt.s32 s19, s24  }
0x5a: {  	s26 =	simm.s32 @!p2 $0x4E160;
	p2 =	sgt.s32 s18, s25;
	s24 =	smov.u32 @p3 s19  }
0x5b: {  	s25 =	smov.u32 @p2 s18;
	s28 =	ssub.s32 s24, s26  }
0x5c: {  	s29 =	ssub.s32 s25, s26;
	s0 =	sadd.s32 $0xFFFFFFFF, s28  }
0x5d: {  	v6 =	vld [tilespmem:s29+$0xA180];
	p2 =	sgt.s32 s0, $0x0  }
0x5e: {  	v7 =	vld [tilespmem:s29+$0xA280];
	s0 =	simm.s32 @!p2 $0x0  }
0x5f: {  	v10 =	vld [tilespmem:s0+$0xA180]  }
0x60: {  	v11 =	vld [tilespmem:s0+$0xA280];
	_ =	sdelay $0x1  }
0x61: {  	(v2sf) =	vpush v6, $0x0  }
0x62: {  	(v2sf) =	vpush v7, $0x0  }
0x63: {  	(v2sf) =	vpush v10, $0x0  }
0x64: {  	(v2sf) =	vpush v11, $0x0;
	_ =	sdelay $0xb  }
0x65: {  	s0 =	spop (v2sf)  }
0x66: {  	s30 =	spop (v2sf)  }
0x67: {  	s3 =	spop (v2sf)  }
0x68: {  	s8 =	spop (v2sf)  }
0x69: {  	s8 =	smov.u32 @p1 s3  }
0x6a: {  	p2 =	sgt.s32 s28, s29;
	s30 =	smov.u32 @p1 s0;
	s31 =	sadd.s32 $0x1, s8  }
0x6b: {  	s30 =	simm.s32 @!p2 $0x1;
	s31 =	simm.s32 @!p2 $0x1  }
0x6c: {  	p1 =	sge.s32 s30, s31  }
.Ltmp6:
0x6d: {  	_ = 	snop;
	(pc) =	sbr.rel @p1 .LBB2_5-.Ltmp6, $1  }
0x6e: {  	_ =	sdelay $0x3  }
0x6f: {  	s0 =	simm.s32 $0x1  }
.Ltmp7:
0x70: {  	s0 =	simm.s32 @!p0 $0x0;
	(pc) =	sbr.rel .LBB2_8-.Ltmp7, $4  }
0x71: {  	p1 =	slt.s32 s23, $0x4E160;
	s0 =	smul.u32 $0x14000, s0  }
0x72: {  	s8 =	smov.u32 s23;
	p2 =	sgt.s32 s18, s23;
	s9 =	smov.u32 s23  }
0x73: {  	s8 =	simm.s32 @!p1 $0x4E160;
	s9 =	smov.u32 @p2 s18;
	s13 =	sshrl.u32 s0, $0x2  }
0x74: {  	s3 =	ssub.s32 $0x0, s8;
	s11 =	ssub.s32 s9, s8;
	s14 =	sadd.s32 $0x1C0, s13  }
.LBB2_10:
0x75: {  	v14 =	vmov v2  }
0x76: {  	_ = 	snop  }
0x77: {  	_ = 	snop  }
0x78: {  	_ = 	snop  }
0x79: {  	_ = 	snop  }
0x7a: {  	_ = 	snop  }
0x7b: {  	_ = 	snop  }
0x7c: {  	v22 =	vmov v9  }
0x7d: {  	v26 =	vmovc v30;
	v25 =	vmovc v56;
	v23 =	vmov v63;
	v15 =	vmov v3;
	v16 =	vmov v4  }
0x7e: {  	v39 =	vld [tilespmem:$0x1FFC0];
	v55 =	vmovc v59;
	v56 =	vmovc v58;
	v6 =	vmov v5;
	v7 =	vmov v0;
	v63 =	vmov v8  }
.LBB2_19:
0x7f: {  	v3 =	vmul.f32 @p2 v51, v55  }
0x80: {  	v5 =	vmul.f32 @p2 v51, v56;
	v6 =	vmul.f32 @p2 v51, v6;
	v11 =	vpop @p2 (erf)  }
0x81: {  	v10 =	vmul.f32 @p2 v51, v61;
	v13 =	vmul.f32 @p2 v11, v20  }
0x82: {  	v2 =	vadd.f32 v49, v52;
	v30 =	vmovc @p2 v40;
	v21 =	vmul.f32 @p2 v11, v21;
	v29 =	vmul.f32 @p2 v11, v29  }
0x83: {  	v9 =	vsub.f32 @p1 v38, v19;
	v44 =	vld [tilespmem:$0x1FFF0];
	v18 =	vmul.f32 @p2 v11, v18;
	v30 =	vmul.f32 @p2 v11, v30  }
0x84: {  	v4 =	vadd.f32 @p3 v53, v42;
	v45 =	vld [tilespmem:$0x1FFC0];
	v20 =	vmovc @p2 v41;
	v17 =	vmul.f32 @p2 v11, v17;
	(xrf2) =	vadd.scan.msk.f32 $0xffff, v2;
	v2 =	vmul.f32 @p1 $1.442695020e+00, v54  }
0x85: {  	v46 =	vld [tilespmem:$0x1FF90];
	v36 =	vadd.f32 @p2 v60, v11;
	v9 =	vmul.f32 @p1 $1.442695020e+00, v9;
	v20 =	vmul.f32 @p2 v11, v20  }
0x86: {  	v47 =	vld [tilespmem:$0x1FFE0];
	v4 =	vpsel p3, v4, v1;
	v11 =	vmul.f32 @p2 v11, v24;
	(erf) = vpow2.f32 @p1 v2  }
0x87: {  	v53 =	vld [tilespmem:$0x1FF70];
	v4 =	vmul.f32 @p2 v51, v4;
	v21 =	vadd.f32 @p2 v21, v62;
	v5 =	vadd.f32 @p2 v18, v5  }
0x88: {  	v48 =	vld [tilespmem:$0x1FF80];
	v3 =	vadd.f32 @p2 v13, v3;
	v6 =	vadd.f32 @p2 v29, v6;
	v2 =	vmul.f32 @p2 v51, v7  }
0x89: {  	v49 =	vld [tilespmem:$0x1FFD0];
	v7 =	vmul.f32 @p2 v51, v63;
	v20 =	vpsel p2, v20, v0;
	(erf) = vpow2.f32 @p1 v9  }
0x8a: {  	v24 =	vmovc @p1 v33;
	v9 =	vadd.f32 @p2 v17, v10;
	v17 =	vpsel p2, v21, v57;
	v3 =	vpsel p2, v3, v59  }
0x8b: {  	v4 =	vpsel p2, v4, v0;
	v24 =	vpsel p1, v24, v46;
	v5 =	vpsel p2, v5, v58  }
0x8c: {  	v29 =	vmovc @p1 v34;
	v6 =	vpsel p2, v6, v47;
	v28 =	vpsel p1, v28, v53;
	v7 =	vadd.f32 @p2 v11, v7  }
0x8d: {  	v11 =	vpsel p2, v36, v44;
	v2 =	vadd.f32 @p2 v30, v2;
	v4 =	vadd.f32 @p2 v20, v4;
	v20 =	vld [tilespmem:$0x1FFA0];
	v21 =	vmovc @p1 v32  }
0x8e: {  	v29 =	vpsel p1, v29, v48;
	v9 =	vpsel p2, v9, v49;
	v21 =	vpsel p1, v21, v45;
	v42, _, _ =	vpop (xrf2)  }
0x8f: {  	v51 =	vld [tilespmem:$0x1FF60];
	v2 =	vpsel p2, v2, v0;
	v7 =	vpsel p2, v7, v8;
	v18 =	vbroadcast v42, $0xF;
	v10 =	vpop @p1 (erf)  }
0x90: {  	v52 =	vld [tilespmem:$0x1FF50];
	v11 =	vmul.f32 @p1 v10, v11;
	v17 =	vmul.f32 @p1 v10, v17;
	v10 =	vpsel p1, v10, v31  }
0x91: {  	v50 =	vld [tilespmem:$0x1FFB0];
	v43 =	vmax.f32 v19, v18;
	v3 =	vmul.f32 @p1 v10, v3;
	v5 =	vmul.f32 @p1 v10, v5  }
0x92: {  	v19 =	vsub.f32 v19, v43;
	v18 =	vsub.f32 v18, v43;
	v17 =	vpsel p1, v17, v20;
	v20 =	vld [tilespmem:$0x1FF30]  }
0x93: {  	v30 =	vmovc @p1 v35;
	v4 =	vpsel p2, v4, v1;
	v6 =	vmul.f32 @p1 v10, v6;
	v2 =	vmul.f32 @p1 v10, v2  }
0x94: {  	v30 =	vpsel p1, v30, v51;
	v31 =	vmovc @p1 v37;
	v7 =	vmul.f32 @p1 v10, v7;
	v19 =	vmul.f32 $1.442695020e+00, v19  }
0x95: {  	v54 =	vld [tilespmem:$0x1FF40];
	v31 =	vpsel p1, v31, v52;
	v9 =	vmul.f32 @p1 v10, v9;
	v4 =	vmul.f32 @p1 v10, v4  }
0x96: {  	v11 =	vpsel p1, v11, v50;
	v10 =	vmul.f32 $1.442695020e+00, v18;
	(erf) = vpow2.f32 v19;
	v18 =	vpop @p1 (erf)  }
0x97: {  	v12 =	vpsel p1, v12, v20;
	v20 =	vmovc @p1 v24;
	v24 =	vmul.f32 @p1 v18, v30;
	v28 =	vmul.f32 @p1 v18, v28  }
0x98: {  	v4 =	vpsel p1, v4, v0;
	v29 =	vmul.f32 @p1 v18, v29;
	(erf) = vpow2.f32 v10  }
0x99: {  	v11 =	vadd.f32 @p1 v11, v18;
	v10 =	vmul.f32 @p1 v18, v21;
	v19 =	vmovc @p1 v27;
	v27 =	vmul.f32 @p1 v18, v31  }
0x9a: {  	v20 =	vmul.f32 @p1 v18, v20;
	v12 =	vmul.f32 @p1 v18, v12;
	v19 =	vpsel p1, v19, v54  }
0x9b: {  	v3 =	vadd.f32 @p1 v24, v3;
	v11 =	vpsel p1, v11, v44;
	v2 =	vadd.f32 @p1 v10, v2  }
0x9c: {  	v6 =	vadd.f32 @p1 v28, v6;
	v17 =	vadd.f32 @p1 v27, v17;
	v19 =	vmul.f32 @p1 v18, v19  }
0x9d: {  	v5 =	vadd.f32 @p1 v20, v5;
	v9 =	vadd.f32 @p1 v12, v9;
	v12 =	vpsel p1, v29, v0  }
0x9e: {  	v3 =	vpsel p1, v3, v59;
	v6 =	vpsel p1, v6, v47;
	v0 =	vpsel p1, v2, v0  }
0x9f: {  	v4 =	vadd.f32 @p1 v12, v4;
	v7 =	vadd.f32 @p1 v19, v7;
	v10 =	vpsel p1, v17, v57;
	v18 =	vpop (erf)  }
0xa0: {  	v5 =	vpsel p1, v5, v58;
	v11 =	vmul.f32 v18, v11;
	v10 =	vmul.f32 v18, v10  }
0xa1: {  	v2 =	vpsel p1, v7, v8;
	v3 =	vmul.f32 v18, v3;
	v5 =	vmul.f32 v18, v5  }
0xa2: {  	v7 =	vpsel p1, v9, v49;
	v6 =	vmul.f32 v18, v6;
	v0 =	vmul.f32 v18, v0  }
0xa3: {  	v1 =	vpsel p1, v4, v1;
	v2 =	vmul.f32 v18, v2;
	v7 =	vmul.f32 v18, v7;
	v4 =	vpop (erf)  }
0xa4: {  	v1 =	vmul.f32 v18, v1;
	v8 =	vmul.f32 v4, v14  }
0xa5: {  	v9 =	vmul.f32 v4, v15;
	v24 =	vadd.f32 v11, v4;
	v11 =	vmul.f32 v4, v25  }
0xa6: {  	v55 =	vmul.f32 v4, v26;
	v57 =	vadd.f32 v8, v10;
	v8 =	vmul.f32 v4, v16  }
0xa7: {  	v10 =	vmul.f32 v4, v39;
	v58 =	vadd.f32 v11, v5;
	v5 =	vmul.f32 v4, v22  }
0xa8: {  	v59 =	vadd.f32 v9, v3;
	v4 =	vmul.f32 v4, v23;
	v61 =	vadd.f32 v8, v7  }
0xa9: {  	v0 =	vadd.f32 v10, v0;
	v8 =	vadd.f32 v5, v2  }
0xaa: {  	v19 =	vmov v43;
	v5 =	vadd.f32 v55, v6;
	v1 =	vadd.f32 v4, v1  }
.LBB2_20:
0xab: {  	p1 =	sgt.s32 s15, s24  }
0xac: {  	v2 =	vadd.f32 @!p1 $9.999999960e-13, v24;
	_ =	sdelay $0x1  }
0xad: {  	(erf) = vrcp.f32 @!p1 v2;
	_ =	sdelay $0x8  }
0xae: {  	v2 =	vpop @!p1 (erf)  }
0xaf: {  	v3 =	vmul.f32 @!p1 v2, v8  }
0xb0: {  	s0 =	sshra.s32 @!p1 s13, $0x2;
	v4 =	vmul.f32 @!p1 v2, v61  }
0xb1: {  	[tilespmem:s0+$0x14380] =	vst @!p1 v3;
	v3 =	vmul.f32 @!p1 v0, v2  }
0xb2: {  	s30 =	sadd.s32 $0x1, s30;
	[tilespmem:s0+$0x14390] =	vst @!p1 v4;
	v4 =	vmul.f32 @!p1 v1, v2  }
0xb3: {  	p2 =	seq.s32 s30, s31;
	[tilespmem:s0+$0x143A0] =	vst @!p1 v3;
	v3 =	vmul.f32 @!p1 v58, v2  }
.Ltmp8:
0xb4: {  	[tilespmem:s0+$0x143B0] =	vst @!p1 v4;
	v4 =	vmul.f32 @!p1 v5, v2;
	(pc) =	sbr.rel @p2 .LBB2_5-.Ltmp8, $4  }
0xb5: {  	[tilespmem:s0+$0x143C0] =	vst @!p1 v3;
	v3 =	vmul.f32 @!p1 v57, v2  }
0xb6: {  	[tilespmem:s0+$0x143D0] =	vst @!p1 v4;
	v2 =	vmul.f32 @!p1 v59, v2  }
0xb7: {  	[tilespmem:s0+$0x143E0] =	vst @!p1 v3  }
0xb8: {  	[tilespmem:s0+$0x143F0] =	vst @!p1 v2  }
.LBB2_8:
0xb9: {  	s8 =	ssub.s32 s30, s7  }
0xba: {  	v6 =	vld [tilespmem:s8+$0x0];
	_ =	sdelay $0x4  }
0xbb: {  	(v2sf) =	vpush v6, $0x0  }
0xbc: {  	(v2sf) =	vpush v6, $0x1;
	_ =	sdelay $0xd  }
0xbd: {  	s9 =	spop (v2sf)  }
0xbe: {  	s15 =	spop (v2sf)  }
0xbf: {  	s8 =	ssub.s32 s9, s26;
	s16 =	ssub.s32 s15, s26  }
0xc0: {  	p2 =	sgt.s32 s29, s8;
	p3 =	slt.s32 s28, s16  }
0xc1: {  	s8 =	smov.u32 @p2 s29;
	s16 =	smov.u32 @p3 s28  }
0xc2: {  	p2 =	sge.s32 s8, s16  }
.Ltmp9:
0xc3: {  	p1 =	slt.s32 s9, s25;
	(pc) =	sbr.rel @p2 .LBB2_20-.Ltmp9, $4  }
0xc4: {  	v19 =	vpsel !p1, $0xFF61B1E6, v19  }
0xc5: {  	v24 =	vpsel !p1, $0x0, v24;
	v8 =	vpsel !p1, $0x0, v8;
	v61 =	vpsel !p1, $0x0, v61  }
0xc6: {  	s13 =	ssub.s32 s30, s5;
	v0 =	vpsel !p1, $0x0, v0;
	v1 =	vpsel !p1, $0x0, v1;
	v58 =	vpsel !p1, $0x0, v58  }
0xc7: {  	s13 =	sshll.u32 s13, $0x9;
	v5 =	vpsel !p1, $0x0, v5;
	v57 =	vpsel !p1, $0x0, v57;
	v59 =	vpsel !p1, $0x0, v59  }
0xc8: {  	s10 =	sshra.s32 s13, $0x2  }
0xc9: {  	v32 =	vld [tilespmem:s10+$0xA380]  }
0xca: {  	v33 =	vld [tilespmem:s10+$0xA390]  }
0xcb: {  	s9 =	sadd.s32 s9, s3;
	v34 =	vld [tilespmem:s10+$0xA3A0]  }
0xcc: {  	s0 =	smov.u32 s11;
	v35 =	vld [tilespmem:s10+$0xA3B0];
	p1 =	sgt.s32 s9, s11  }
0xcd: {  	v37 =	vld [tilespmem:s10+$0xA3C0];
	s0 =	smov.u32 @p1 s9  }
0xce: {  	v18 =	vld [tilespmem:s10+$0xA3D0];
	s0 =	sshll.u32 s0, $0x9  }
0xcf: {  	v40 =	vld [tilespmem:s10+$0xA3E0];
	s0 =	sshra.s32 s0, $0x2  }
0xd0: {  	v41 =	vld [tilespmem:s10+$0xA3F0];
	s0 =	sadd.s32 s0, s14  }
0xd1: {  	v2 =	vld [tilespmem:s0+$0x20]  }
0xd2: {  	v3 =	vld [tilespmem:s0+$0x30]  }
0xd3: {  	v4 =	vld [tilespmem:s0+$0xFFFFFFD0]  }
0xd4: {  	v9 =	vld [tilespmem:s0+$0xFFFFFFC0]  }
0xd5: {  	v30 =	vld [tilespmem:s0+$0x10]  }
0xd6: {  	v13 =	vld [tilespmem:s0+$0xFFFFFFE0]  }
0xd7: {  	v56 =	vld [tilespmem:s0+$0x0]  }
0xd8: {  	v63 =	vld [tilespmem:s0+$0xFFFFFFF0];
	_ =	sdelay $0x1  }
0xd9: {  	v6 =	vmul.f32 v2, v40;
	v7 =	vmul.f32 v3, v41  }
0xda: {  	s8 =	sadd.s32 $0x1, s8;
	v10 =	vmul.f32 v4, v33;
	v11 =	vmul.f32 v9, v32  }
0xdb: {  	p4 =	slt.s32 s8, s16;
	v12 =	vmul.f32 v30, v18;
	[tilespmem:$0x1FFC0] =	vst v13;
	v13 =	vmul.f32 v13, v34  }
.Ltmp10:
0xdc: {  	v14 =	vmul.f32 v56, v37;
	v15 =	vmul.f32 v63, v35;
	(pc) =	sbr.rel @!p4 .LBB2_10-.Ltmp10, $4  }
0xdd: {  	v6 =	vadd.f32 v7, v6;
	v7 =	vadd.f32 v10, v11  }
0xde: {  	[tilespmem:$0x1FFD0] =	vst v61;
	v10 =	vadd.f32 v12, v14;
	v11 =	vadd.f32 v15, v13  }
0xdf: {  	p2 =	por $0x0, $0x0;
	[tilespmem:$0x1FFE0] =	vst v5  }
0xe0: {  	p3 =	por $0x0, $0x0;
	[tilespmem:$0x1FFF0] =	vst v24;
	p1 =	por $0x0, $0x0;
	s9 =	sadd.s32 $0x80, s0;
	v49 =	vadd.f32 v6, v10;
	v52 =	vadd.f32 v11, v7  }
0xe1: {  	_ = 	snop  }
0xe2: {  	v14 =	vld [tilespmem:s9+$0x20];
	v6 =	vadd.f32 v49, v52  }
0xe3: {  	v15 =	vld [tilespmem:s9+$0x30]  }
0xe4: {  	v16 =	vld [tilespmem:s9+$0xFFFFFFD0];
	(xrf2) =	vadd.scan.msk.f32 $0xffff, v6  }
0xe5: {  	v27 =	vld [tilespmem:s9+$0xFFFFFFC0]  }
0xe6: {  	v28 =	vld [tilespmem:s9+$0x10]  }
0xe7: {  	v39 =	vld [tilespmem:s9+$0xFFFFFFE0]  }
0xe8: {  	v25 =	vld [tilespmem:s9+$0x0]  }
0xe9: {  	v23 =	vld [tilespmem:s9+$0xFFFFFFF0];
	_ =	sdelay $0x1  }
0xea: {  	v6 =	vmul.f32 v14, v40;
	v7 =	vmul.f32 v15, v41  }
0xeb: {  	s8 =	sadd.s32 $0x1, s8;
	v10 =	vmul.f32 v16, v33;
	v11 =	vmul.f32 v27, v32  }
0xec: {  	p4 =	slt.s32 s8, s16;
	v12 =	vmul.f32 v28, v18;
	v13 =	vmul.f32 v25, v37  }
.Ltmp11:
0xed: {  	v17 =	vmul.f32 v39, v34;
	v20 =	vmul.f32 v23, v35;
	v21, _, _ =	vpop (xrf2);
	(pc) =	sbr.rel @!p4 .LBB2_12-.Ltmp11, $4  }
0xee: {  	v6 =	vadd.f32 v7, v6;
	v7 =	vadd.f32 v12, v13;
	v38 =	vbroadcast v21, $0xF  }
0xef: {  	v10 =	vadd.f32 v10, v11;
	v11 =	vadd.f32 v20, v17  }
0xf0: {  	v49 =	vadd.f32 v6, v7;
	v6 =	vmax.f32 v19, v38  }
0xf1: {  	s9 =	sadd.s32 $0x80, s9;
	p1 =	por $0x1, $0x1;
	v52 =	vadd.f32 v11, v10;
	v54 =	vsub.f32 v19, v6  }
0xf2: {  	_ = 	snop  }
0xf3: {  	v7 =	vadd.f32 v49, v52  }
0xf4: {  	v43 =	vld [tilespmem:s9+$0x20]  }
0xf5: {  	v44 =	vld [tilespmem:s9+$0x30];
	(xrf2) =	vadd.scan.msk.f32 $0xffff, v7;
	v7 =	vmul.f32 $1.442695020e+00, v54  }
0xf6: {  	v45 =	vld [tilespmem:s9+$0xFFFFFFC0]  }
0xf7: {  	v36 =	vld [tilespmem:s9+$0xFFFFFFD0];
	(erf) = vpow2.f32 v7  }
0xf8: {  	v46 =	vld [tilespmem:s9+$0x10]  }
0xf9: {  	v50 =	vld [tilespmem:s9+$0xFFFFFFE0]  }
0xfa: {  	v48 =	vld [tilespmem:s9+$0x0]  }
0xfb: {  	v47 =	vld [tilespmem:s9+$0xFFFFFFF0];
	v12 =	vmul.f32 v45, v32  }
0xfc: {  	[tilespmem:$0x1FF30] =	vst v4  }
0xfd: {  	[tilespmem:$0x1FF40] =	vst v9;
	v7 =	vmul.f32 v43, v40;
	v11 =	vmul.f32 v36, v33  }
0xfe: {  	v13 =	vsub.f32 v38, v6;
	s8 =	sadd.s32 $0x1, s8;
	[tilespmem:$0x1FF50] =	vst v2;
	v10 =	vmul.f32 v44, v41;
	v17 =	vmul.f32 v46, v18  }
0xff: {  	[tilespmem:$0x1FF60] =	vst v3;
	p4 =	slt.s32 s8, s16;
	v19 =	vmul.f32 v50, v34;
	v20 =	vmul.f32 v48, v37;
	v11 =	vadd.f32 v11, v12;
	v12, _, _ =	vpop (xrf2)  }
.Ltmp12:
0x100: {  	[tilespmem:$0x1FF70] =	vst v30;
	v21 =	vmul.f32 v47, v35;
	v7 =	vadd.f32 v10, v7;
	v10 =	vmul.f32 $1.442695020e+00, v13;
	v31 =	vpop (erf);
	(pc) =	sbr.rel @!p4 .LBB2_14-.Ltmp12, $4  }
0x101: {  	[tilespmem:$0x1FF80] =	vst v63;
	v13 =	vadd.f32 v17, v20;
	v38 =	vbroadcast v12, $0xF;
	v62 =	vmul.f32 v31, v57  }
0x102: {  	[tilespmem:$0x1FF90] =	vst v56;
	v12 =	vadd.f32 v21, v19;
	v60 =	vmul.f32 v31, v24  }
0x103: {  	v49 =	vadd.f32 v7, v13;
	v19 =	vmax.f32 v6, v38;
	[tilespmem:$0x1FFA0] =	vst v62  }
0x104: {  	s9 =	sadd.s32 $0x80, s9;
	p2 =	por $0x1, $0x1;
	(erf) = vpow2.f32 v10;
	v52 =	vadd.f32 v12, v11;
	v54 =	vsub.f32 v6, v19;
	[tilespmem:$0x1FFB0] =	vst v60  }
0x105: {  	[tilespmem:$0x1FF00] =	vst v57;
	v57 =	vld [tilespmem:s9+$0x20]  }
0x106: {  	[tilespmem:$0x1FF10] =	vst v59;
	v7 =	vmul.f32 v31, v59;
	v59 =	vld [tilespmem:s9+$0x30]  }
0x107: {  	[tilespmem:$0x1FF20] =	vst v58;
	v11 =	vmul.f32 v31, v58;
	v58 =	vld [tilespmem:s9+$0xFFFFFFD0]  }
0x108: {  	v22 =	vld [tilespmem:s9+$0xFFFFFFC0];
	v6 =	vadd.f32 v49, v52  }
0x109: {  	v17 =	vmul.f32 v31, v5;
	v20 =	vmul.f32 v31, v0;
	v26 =	vld [tilespmem:s9+$0x10]  }
0x10a: {  	v12 =	vsub.f32 v38, v19;
	v21 =	vmul.f32 v31, v8;
	v13 =	vld [tilespmem:s9+$0x0];
	(xrf2) =	vadd.scan.msk.f32 $0xffff, v6;
	v6 =	vmul.f32 $1.442695020e+00, v54  }
0x10b: {  	v24 =	vmul.f32 v31, v61;
	v42 =	vmul.f32 v31, v1  }
0x10c: {  	v29 =	vmul.f32 $1.442695020e+00, v12;
	(erf) = vpow2.f32 v6  }
0x10d: {  	v10 =	vld [tilespmem:s9+$0xFFFFFFE0];
	v6 =	vmul.f32 v57, v40;
	v61 =	vmul.f32 v59, v41  }
0x10e: {  	v12 =	vld [tilespmem:s9+$0xFFFFFFF0];
	v52 =	vmul.f32 v58, v33;
	v55 =	vmul.f32 v22, v32  }
0x10f: {  	v38 =	vmul.f32 v26, v18;
	v6 =	vadd.f32 v61, v6;
	v61 =	vmul.f32 v13, v37;
	v49 =	vpop (erf)  }
0x110: {  	v51 =	vmul.f32 v49, v3;
	v53 =	vmul.f32 v49, v2;
	v3 =	vld [tilespmem:$0x1FFC0]  }
0x111: {  	v52 =	vadd.f32 v52, v55;
	v2 =	vmul.f32 v49, v30;
	v56 =	vmul.f32 v49, v56  }
0x112: {  	v54 =	vadd.f32 v60, v49;
	v60 =	vmul.f32 v10, v34;
	v4 =	vmul.f32 v49, v4  }
0x113: {  	s8 =	sadd.s32 $0x1, s8;
	v62 =	vadd.f32 v53, v62;
	v56 =	vadd.f32 v56, v11;
	v11 =	vmul.f32 v12, v35  }
0x114: {  	p4 =	slt.s32 s8, s16;
	v53 =	vmul.f32 v49, v63;
	v55 =	vadd.f32 v51, v7;
	v7 =	vadd.f32 v38, v61  }
.Ltmp13:
0x115: {  	v61 =	vadd.f32 v4, v24;
	v63, _, _ =	vpop (xrf2);
	v60 =	vadd.f32 v11, v60;
	v3 =	vmul.f32 v49, v3;
	(pc) =	sbr.rel @!p4 .LBB2_16-.Ltmp13, $4  }
0x116: {  	v38 =	vbroadcast v63, $0xF;
	v63 =	vmul.f32 v49, v9;
	v49 =	vadd.f32 v6, v7  }
0x117: {  	(erf) = vpow2.f32 v29;
	v51 =	vpop (erf);
	v6 =	vadd.f32 v2, v17;
	v52 =	vadd.f32 v60, v52  }
0x118: {  	v60 =	vmul.f32 v51, v54;
	v11 =	vmax.f32 v19, v38;
	v63 =	vadd.f32 v63, v21  }
0x119: {  	p3 =	por $0x1, $0x1;
	s9 =	sadd.s32 $0x80, s9;
	v62 =	vmul.f32 v51, v62;
	v7 =	vadd.f32 v3, v20;
	v54 =	vsub.f32 v19, v11  }
.LBB2_17:
0x11a: {  	v3 =	vadd.f32 v49, v52;
	v4 =	vmul.f32 v51, v55;
	v17 =	vadd.f32 v53, v42;
	v19 =	vmovc v22  }
0x11b: {  	v2 =	vld [tilespmem:s9+$0x20];
	s8 =	sadd.s32 $0x1, s8;
	v20 =	vmovc v26;
	v21 =	vmovc v39;
	v39 =	vmov v50;
	v50 =	vmov v10;
	v24 =	vmov v25  }
0x11c: {  	v49 =	vmul.f32 v51, v56;
	v29 =	vld [tilespmem:s9+$0x30]  }
0x11d: {  	v38 =	vsub.f32 v38, v11;
	v25 =	vmovc v48;
	v7 =	vmul.f32 v51, v7;
	p4 =	slt.s32 s8, s16;
	v6 =	vmul.f32 v51, v6  }
0x11e: {  	v48 =	vmovc v13;
	v53 =	vmov v23;
	v61 =	vmul.f32 v51, v61;
	v52 =	vld [tilespmem:s9+$0xFFFFFFD0];
	(xrf2) =	vadd.scan.msk.f32 $0xffff, v3;
	v3 =	vmul.f32 $1.442695020e+00, v54  }
0x11f: {  	v23 =	vmovc v47;
	v47 =	vmovc v12;
	v9 =	vmov v11;
	v54 =	vmul.f32 v51, v63;
	v42 =	vmul.f32 v51, v17;
	v22 =	vld [tilespmem:s9+$0xFFFFFFC0]  }
0x120: {  	v17 =	vmul.f32 $1.442695020e+00, v38;
	v26 =	vld [tilespmem:s9+$0x10];
	(erf) = vpow2.f32 v3  }
0x121: {  	v10 =	vld [tilespmem:s9+$0xFFFFFFE0];
	v3 =	vmul.f32 v2, v40;
	v63 =	vpop (erf);
	v38 =	vmul.f32 v29, v41  }
0x122: {  	v13 =	vld [tilespmem:s9+$0x0];
	v60 =	vadd.f32 v60, v63;
	v51 =	vmul.f32 v63, v15;
	v15 =	vmovc v44;
	v56 =	vmul.f32 v63, v14  }
0x123: {  	v14 =	vmovc v43;
	v43 =	vmovc v57;
	v57 =	vmov v2;
	v5 =	vmul.f32 v63, v28;
	v12 =	vld [tilespmem:s9+$0xFFFFFFF0];
	v55 =	vmul.f32 v52, v33  }
0x124: {  	v44 =	vmovc v59;
	v24 =	vmul.f32 v63, v24;
	v2 =	vmul.f32 v22, v32;
	v3 =	vadd.f32 v38, v3  }
0x125: {  	v59 =	vmov v29;
	v62 =	vadd.f32 v56, v62;
	v38 =	vmul.f32 v26, v18  }
0x126: {  	v53 =	vmul.f32 v63, v53;
	v28 =	vmovc v46;
	v2 =	vadd.f32 v55, v2;
	v29 =	vmul.f32 v10, v34  }
0x127: {  	v21 =	vmul.f32 v63, v21;
	v46 =	vmovc v20;
	v56 =	vadd.f32 v24, v49;
	v30 =	vmul.f32 v13, v37  }
0x128: {  	v49 =	vmul.f32 v63, v16;
	v55 =	vadd.f32 v51, v4;
	v20 =	vmul.f32 v12, v35;
	v24, _, _ =	vpop (xrf2)  }
.Ltmp14:
0x129: {  	v4 =	vadd.f32 v38, v30;
	v38 =	vbroadcast v24, $0xF;
	v51 =	vpop (erf);
	v24 =	vmul.f32 v63, v27;
	(pc) =	sbr.rel @p4 .LBB2_17-.Ltmp14, $4  }
0x12a: {  	v16 =	vmovc v36;
	v36 =	vmovc v58;
	v61 =	vadd.f32 v49, v61;
	v20 =	vadd.f32 v20, v29;
	(erf) = vpow2.f32 v17  }
0x12b: {  	v58 =	vmovc v52;
	v49 =	vadd.f32 v3, v4;
	v11 =	vmax.f32 v11, v38;
	v63 =	vadd.f32 v24, v54  }
0x12c: {  	v7 =	vadd.f32 v21, v7;
	v27 =	vmovc v45;
	v60 =	vmul.f32 v51, v60;
	v52 =	vadd.f32 v20, v2  }
0x12d: {  	s9 =	sadd.s32 $0x80, s9;
	v6 =	vadd.f32 v5, v6;
	v45 =	vmovc v19;
	v62 =	vmul.f32 v51, v62;
	v54 =	vsub.f32 v9, v11  }
.Ltmp15:
0x12e: {  	v40 =	vmov v39;
	v18 =	vmov v25;
	v41 =	vmov v23;
	(pc) =	sbr.rel .LBB2_19-.Ltmp15, $4  }
0x12f: {  	v20 =	vmovc v15;
	v21 =	vmovc v14;
	v29 =	vmov v28;
	v17 =	vmov v16;
	v24 =	vmov v27  }
0x130: {  	v32 =	vmovc v50;
	v39 =	vmovc v10;
	v19 =	vmov v11;
	v33 =	vmov v48;
	v14 =	vmov v57;
	v57 =	vld [tilespmem:$0x1FF00]  }
0x131: {  	v25 =	vmovc v13;
	v34 =	vmovc v47;
	v23 =	vmov v12;
	v35 =	vmov v44;
	v16 =	vmov v58;
	v58 =	vld [tilespmem:$0x1FF20]  }
0x132: {  	v37 =	vmovc v43;
	v15 =	vmovc v59;
	v28 =	vmov v46;
	v12 =	vmov v36;
	v27 =	vmov v45;
	v59 =	vld [tilespmem:$0x1FF10]  }
.LBB2_12:
0x133: {  	v37 =	vmov v2  }
0x134: {  	_ = 	snop  }
0x135: {  	_ = 	snop  }
0x136: {  	_ = 	snop  }
0x137: {  	_ = 	snop  }
.Ltmp16:
0x138: {  	(pc) =	sbr.rel .LBB2_19-.Ltmp16, $4  }
0x139: {  	_ = 	snop  }
0x13a: {  	v22 =	vmovc v27;
	v26 =	vmov v28;
	v33 =	vmov v56;
	v34 =	vmov v63  }
0x13b: {  	v35 =	vmovc v3;
	v28 =	vmovc v30;
	v12 =	vmov v4;
	v27 =	vmov v9;
	v55 =	vmov v59  }
0x13c: {  	v32 =	vld [tilespmem:$0x1FFC0];
	v19 =	vmovc v6;
	v56 =	vmovc v58;
	v6 =	vmov v5;
	v7 =	vmov v0;
	v63 =	vmov v8  }
.LBB2_14:
0x13d: {  	v32 =	vmov v39;
	v33 =	vmov v25  }
.Ltmp17:
0x13e: {  	v34 =	vmovc v23;
	v35 =	vmovc v15;
	v37 =	vmov v14;
	v12 =	vmov v16;
	v55 =	vmov v59;
	(pc) =	sbr.rel .LBB2_19-.Ltmp17, $4  }
0x13f: {  	v51 =	vmovc v31;
	v22 =	vmovc v45;
	v26 =	vmov v46;
	v39 =	vmov v50;
	v18 =	vmov v56  }
0x140: {  	v56 =	vmovc v58;
	v6 =	vmovc v5;
	v7 =	vmov v0;
	v25 =	vmov v48;
	v41 =	vmov v63  }
0x141: {  	v40 =	vld [tilespmem:$0x1FFC0];
	v63 =	vmovc v8;
	v23 =	vmovc v47;
	v20 =	vmov v3;
	v21 =	vmov v2;
	v14 =	vmov v43  }
0x142: {  	v29 =	vmovc v30;
	v15 =	vmovc v44;
	v17 =	vmov v4;
	v24 =	vmov v9;
	v16 =	vmov v36  }
.LBB2_16:
.Ltmp18:
0x143: {  	v40 =	vmov v39;
	v18 =	vmov v25;
	v41 =	vmov v23;
	(pc) =	sbr.rel .LBB2_19-.Ltmp18, $4  }
0x144: {  	v20 =	vmovc v15;
	v21 =	vmovc v14;
	v29 =	vmov v28;
	v17 =	vmov v16;
	v24 =	vmov v27  }
0x145: {  	v32 =	vmovc v50;
	v39 =	vmovc v10;
	v19 =	vmov v11;
	v33 =	vmov v48;
	v14 =	vmov v57;
	v57 =	vld [tilespmem:$0x1FF00]  }
0x146: {  	v25 =	vmovc v13;
	v34 =	vmovc v47;
	v23 =	vmov v12;
	v35 =	vmov v44;
	v16 =	vmov v58;
	v58 =	vld [tilespmem:$0x1FF20]  }
0x147: {  	v37 =	vmovc v43;
	v15 =	vmovc v59;
	v28 =	vmov v46;
	v12 =	vmov v36;
	v27 =	vmov v45;
	v59 =	vld [tilespmem:$0x1FF10]  }
.LBB2_22:
0x148: {  	_ =	sfence.sel $0x180000  }
0x149: {  	[bflag:$0x0] =	sbarrier.arrive $0xFFFF  }
0x14a: {  	_ =	strace $0x90000047  }
0x14b: {  	s0 =	stileid.u32;
	[bflag:$0x2] =	sbarrier.arrive $0xFFFF  }
0x14c: {  	p0 =	sne.s32 s0, $0x0;
	s0 =	rddreg [dreg:$0x4]  }
0x14d: {  	s0 =	sadd.s32 @!p0 $0x100000, s0  }
0x14e: {  	[sflag:s0] =	ssyncadd.tile.s32 @!p0 $0x1;
	_ =	shalt  }
.Lfunc_end2:
_tile_overlayer_lowered:
.L_overlay_start_2:
0x14f: {  	(tag) =	ssettag $0x2  }
0x150: {  	s0 =	rddreg [dreg:$0x0];
	s2 =	stileid.u32  }
0x151: {  	s1 =	rddreg [dreg:$0x1];
	p0 =	sne.s32 s2, $0x0  }
0x152: {  	s3 =	rddreg [dreg:$0x2];
	[bflag:$0x3] =	sbarrier.arrive $0xFFFF;
	s2 =	simm.s32 @!p0 $0x1C05  }
0x153: {  	[timem:s3], [sflag:s2] =	dma.local @!p0 [hbm:s0], s1  }
0x154: {  	s0 =	simm.s32 @!p0 $0x5  }
0x155: {  	_ =	swait.ge @!p0 [sflag:s0], s1  }
0x156: {  	s1 =	ssub.s32 @!p0 $0x0, s1;
	[sflag:s0] =	ssyncset.done @!p0 $0x0  }
0x157: {  	[sflag:s0] =	ssyncadd.s32 @!p0 s1  }
0x158: {  	[bflag:$0x3] =	sbarrier.arrive $0xFFFF  }
0x159: {  	_ =	shalt  }

</sc_bundles>
